<compile_context>
chip_gen: v7x
topology: tpu7x:2x2x1
jax: 0.10.2.dev20260603
libtpu: 0.0.44.dev20260713+nightly
codegen_flags: <defaults>
</compile_context>

<pallas_src>
import functools

import jax
import jax.numpy as jnp
from jax import lax
from jax.experimental import pallas as pl
from jax.experimental.pallas import tpu as pltpu
from jax.experimental.pallas import tpu_sc as plsc

NUM_CORES = 2
NUM_SUBCORES = 16
NUM_WORKERS = NUM_CORES * NUM_SUBCORES
CHUNK = 128
NBUF = 8
PREFETCH = 6
BW = 256


def _format_out(flat128, S, B, D):
    row_bytes = S * D
    rows_per_w = BW * row_bytes // 128
    k = row_bytes // 128

    def body(in_ref, out_ref):
        x = in_ref[...].reshape(BW, k, 128)
        for kk in range(k):
            out_ref[pl.ds(kk * 128, 128), :] = x[:, kk, :].T

    return pl.pallas_call(
        body,
        grid=(B // BW,),
        in_specs=[pl.BlockSpec((rows_per_w, 128), lambda i: (i, 0))],
        out_specs=pl.BlockSpec((row_bytes, BW), lambda i: (0, i)),
        out_shape=jax.ShapeDtypeStruct((row_bytes, B), jnp.float32),
    )(flat128)


def kernel(token_ids, weight):
    B, S = token_ids.shape
    V, D = weight.shape
    total = B * S
    per_w = total // NUM_WORKERS
    n_chunks = per_w // CHUNK
    n_groups = n_chunks // NBUF
    idx = token_ids.reshape(NUM_WORKERS, n_chunks, CHUNK).astype(jnp.int32)

    mesh = plsc.VectorSubcoreMesh(core_axis_name="c", subcore_axis_name="s")

    @functools.partial(
        pl.kernel,
        mesh=mesh,
        out_type=jax.ShapeDtypeStruct((total, D), jnp.float32),
        scratch_types=[
            pltpu.VMEM((n_chunks, CHUNK), jnp.int32),
            pltpu.VMEM((NBUF, CHUNK, D), jnp.float32),
            [pltpu.SemaphoreType.DMA] * NBUF,
            [pltpu.SemaphoreType.DMA] * NBUF,
        ],
        compiler_params=pltpu.CompilerParams(use_tc_tiling_on_sc=False),
    )
    def emb(table_hbm, idx_hbm, out_hbm, idx_v, rows_v, gsems, wsems):
        wid = lax.axis_index("s") * NUM_CORES + lax.axis_index("c")
        base = wid * per_w
        pltpu.sync_copy(idx_hbm.at[wid], idx_v)

        def gather(j, b, sem):
            return pltpu.make_async_copy(
                table_hbm.at[idx_v.at[j]], rows_v.at[b], sem
            )

        def writeback(j, b, sem):
            return pltpu.make_async_copy(
                rows_v.at[b], out_hbm.at[pl.ds(base + j * CHUNK, CHUNK)], sem
            )

        for b in range(PREFETCH):
            gather(b, b, gsems[b]).start()

        def body(g, carry):
            for b in range(NBUF):
                j = g * NBUF + b
                bp = (b + PREFETCH) % NBUF
                @pl.when(j + PREFETCH - NBUF >= 0)
                def _():
                    writeback(j + PREFETCH - NBUF, bp, wsems[bp]).wait()

                @pl.when(j + PREFETCH < n_chunks)
                def _():
                    gather(j + PREFETCH, bp, gsems[bp]).start()

                gather(j, b, gsems[b]).wait()
                writeback(j, b, wsems[b]).start()
            return carry

        lax.fori_loop(0, n_groups, body, 0)

        for j in range(n_chunks - (NBUF - PREFETCH), n_chunks):
            b = j % NBUF
            writeback(j, b, wsems[b]).wait()

    out_flat = emb(weight, idx)
    out_t = _format_out(out_flat.reshape(total * D // 128, 128), S, B, D)
    return out_t.reshape(S, D, B).transpose(2, 0, 1)

# --- scband reference (transcript-rebuilt; emitter-appended) ---
"""Pipeline reference for scband-embedding-16466904613792 (READ-ONLY COPY).

The authoritative reference and input builder live on the scoring server;
editing this copy changes nothing except your own understanding.
"""

import jax, jax.numpy as jnp
import numpy as np
import math

NUM_EMBEDDINGS = 1000000
EMBEDDING_DIM = 32

def setup_inputs(seed: int = 0) -> dict:
    key = jax.random.key(seed)
    k_idx, k_w = jax.random.split(key)
    token_ids = jax.random.randint(k_idx, (4096, 200), 0, NUM_EMBEDDINGS, dtype=jnp.int64 if jax.config.jax_enable_x64 else jnp.int32)
    std = math.sqrt(2.0 / (NUM_EMBEDDINGS + EMBEDDING_DIM))
    # truncated normal in [-3*std, 3*std]
    weight = jax.random.truncated_normal(k_w, -3.0, 3.0, (NUM_EMBEDDINGS, EMBEDDING_DIM), dtype=jnp.float32) * std
    return {"token_ids": token_ids, "weight": weight}

def reference(token_ids, weight):
    # Faithful translation of Embedding.forward: weight[token_ids]
    return jnp.take(weight, token_ids, axis=0)

if __name__ == "__main__":
    import jax
    _d = setup_inputs()
    print(jax.jit(kernel)(*tuple(_d.values())))

</pallas_src>

<mosaic_0001>
#map = affine_map<(d0, d1) -> (0, 0)>
#map1 = affine_map<(d0, d1) -> (0, 0, 0)>
module attributes {stable_mosaic.version = 14 : i64} {
  func.func @emb(%arg0: i32, %arg1: i32, %arg2: memref<1000000x32xf32, #tpu.memory_space<hbm>>, %arg3: memref<32x200x128xi32, #tpu.memory_space<hbm>>, %arg4: memref<819200x32xf32, #tpu.memory_space<hbm>>, %arg5: memref<200x128xi32, #tpu.memory_space<vmem>>, %arg6: memref<8x128x32xf32, #tpu.memory_space<vmem>>, %arg7: memref<!tpu.dma_semaphore, #tpu.memory_space<semaphore_mem>>, %arg8: memref<!tpu.dma_semaphore, #tpu.memory_space<semaphore_mem>>, %arg9: memref<!tpu.dma_semaphore, #tpu.memory_space<semaphore_mem>>, %arg10: memref<!tpu.dma_semaphore, #tpu.memory_space<semaphore_mem>>, %arg11: memref<!tpu.dma_semaphore, #tpu.memory_space<semaphore_mem>>, %arg12: memref<!tpu.dma_semaphore, #tpu.memory_space<semaphore_mem>>, %arg13: memref<!tpu.dma_semaphore, #tpu.memory_space<semaphore_mem>>, %arg14: memref<!tpu.dma_semaphore, #tpu.memory_space<semaphore_mem>>, %arg15: memref<!tpu.dma_semaphore, #tpu.memory_space<semaphore_mem>>, %arg16: memref<!tpu.dma_semaphore, #tpu.memory_space<semaphore_mem>>, %arg17: memref<!tpu.dma_semaphore, #tpu.memory_space<semaphore_mem>>, %arg18: memref<!tpu.dma_semaphore, #tpu.memory_space<semaphore_mem>>, %arg19: memref<!tpu.dma_semaphore, #tpu.memory_space<semaphore_mem>>, %arg20: memref<!tpu.dma_semaphore, #tpu.memory_space<semaphore_mem>>, %arg21: memref<!tpu.dma_semaphore, #tpu.memory_space<semaphore_mem>>, %arg22: memref<!tpu.dma_semaphore, #tpu.memory_space<semaphore_mem>>) attributes {dimension_semantics = [#tpu.dimension_semantics<core_parallel>, #tpu.dimension_semantics<subcore_parallel>], iteration_bounds = array<i64: 2, 16>, scalar_prefetch = 0 : i64, scratch_operands = 18 : i64, tpu.core_type = #tpu.core_type<sc_vector_subcore>, window_params = [{transform_indices = #map}, {transform_indices = #map1}, {transform_indices = #map}]} {
    %mul3A = arith.constant 2 : i32
    %mul3A_0 = arith.muli %arg1, %mul3A : i32
    %add3A = arith.addi %mul3A_0, %arg0 : i32
    %mul3A_1 = arith.constant 25600 : i32
    %mul3A_2 = arith.muli %add3A, %mul3A_1 : i32
    "tpu.region"() ({
      %run_scoped3A = tpu.sem_alloc : memref<!tpu.dma_semaphore, #tpu.memory_space<semaphore_mem>>
      %dma_start3A_108 = arith.constant 0 : i32
      %dma_start3A_109 = arith.constant 0 : i32
      %dma_start3A_110 = tpu.memref_slice %arg3[%add3A, %dma_start3A_108, %dma_start3A_109] : memref<32x200x128xi32, #tpu.memory_space<hbm>> -> memref<1x200x128xi32, #tpu.memory_space<hbm>>
      %dma_start3A_111 = tpu.memref_squeeze %dma_start3A_110 : memref<1x200x128xi32, #tpu.memory_space<hbm>> -> memref<200x128xi32, #tpu.memory_space<hbm>>
      %dma_start3A_112 = arith.constant 0 : i32
      %dma_start3A_113 = arith.constant 0 : i32
      %dma_start3A_114 = tpu.memref_slice %arg3[%add3A, %dma_start3A_112, %dma_start3A_113] : memref<32x200x128xi32, #tpu.memory_space<hbm>> -> memref<1x200x128xi32, #tpu.memory_space<hbm>>
      %dma_start3A_115 = tpu.memref_squeeze %dma_start3A_114 : memref<1x200x128xi32, #tpu.memory_space<hbm>> -> memref<200x128xi32, #tpu.memory_space<hbm>>
      tpu.enqueue_dma source(%dma_start3A_115 : memref<200x128xi32, #tpu.memory_space<hbm>>) target(%arg5 : memref<200x128xi32, #tpu.memory_space<vmem>>) target_semaphore(%run_scoped3A : memref<!tpu.dma_semaphore, #tpu.memory_space<semaphore_mem>>)
      %dma_wait3A_116 = arith.constant 0 : i32
      %dma_wait3A_117 = arith.constant 0 : i32
      %dma_wait3A_118 = tpu.memref_slice %arg3[%add3A, %dma_wait3A_116, %dma_wait3A_117] : memref<32x200x128xi32, #tpu.memory_space<hbm>> -> memref<1x200x128xi32, #tpu.memory_space<hbm>>
      %dma_wait3A_119 = tpu.memref_squeeze %dma_wait3A_118 : memref<1x200x128xi32, #tpu.memory_space<hbm>> -> memref<200x128xi32, #tpu.memory_space<hbm>>
      %dma_wait3A_120 = arith.constant 0 : i32
      %dma_wait3A_121 = arith.constant 0 : i32
      %dma_wait3A_122 = tpu.memref_slice %arg3[%add3A, %dma_wait3A_120, %dma_wait3A_121] : memref<32x200x128xi32, #tpu.memory_space<hbm>> -> memref<1x200x128xi32, #tpu.memory_space<hbm>>
      %dma_wait3A_123 = tpu.memref_squeeze %dma_wait3A_122 : memref<1x200x128xi32, #tpu.memory_space<hbm>> -> memref<200x128xi32, #tpu.memory_space<hbm>>
      tpu.wait_dma2 semaphore(%run_scoped3A : memref<!tpu.dma_semaphore, #tpu.memory_space<semaphore_mem>>) src(%dma_wait3A_123 : memref<200x128xi32, #tpu.memory_space<hbm>>) dst(%arg5 : memref<200x128xi32, #tpu.memory_space<vmem>>)
      tpu.yield
    }) : () -> ()
    %dma_start3A = arith.constant 0 : i32
    %dma_start3A_3 = arith.constant 0 : i32
    %dma_start3A_4 = arith.constant 0 : i32
    %dma_start3A_5 = arith.constant 0 : i32
    %dma_start3A_6 = tpu.memref_slice %arg6[%dma_start3A_3, %dma_start3A_4, %dma_start3A_5] : memref<8x128x32xf32, #tpu.memory_space<vmem>> -> memref<1x128x32xf32, #tpu.memory_space<vmem>>
    %dma_start3A_7 = tpu.memref_squeeze %dma_start3A_6 : memref<1x128x32xf32, #tpu.memory_space<vmem>> -> memref<128x32xf32, #tpu.memory_space<vmem>>
    %dma_start3A_8 = arith.constant 0 : i32
    %dma_start3A_9 = tpu.memref_slice %arg5[%dma_start3A, %dma_start3A_8] : memref<200x128xi32, #tpu.memory_space<vmem>> -> memref<1x128xi32, #tpu.memory_space<vmem>>
    %dma_start3A_10 = tpu.memref_squeeze %dma_start3A_9 : memref<1x128xi32, #tpu.memory_space<vmem>> -> memref<128xi32, #tpu.memory_space<vmem>>
    %dma_start3A_11 = arith.constant 0 : i32
    %dma_start3A_12 = arith.constant 0 : i32
    %dma_start3A_13 = tpu.memref_slice %arg2[%dma_start3A_11, %dma_start3A_12] : memref<1000000x32xf32, #tpu.memory_space<hbm>> -> memref<1000000x32xf32, #tpu.memory_space<hbm>>
    tpu.enqueue_indirect_dma source(%dma_start3A_13 : memref<1000000x32xf32, #tpu.memory_space<hbm>>) target(%dma_start3A_7 : memref<128x32xf32, #tpu.memory_space<vmem>>) offsets(%dma_start3A_10 : memref<128xi32, #tpu.memory_space<vmem>>) semaphore(%arg7 : memref<!tpu.dma_semaphore, #tpu.memory_space<semaphore_mem>>)
    %dma_start3A_14 = arith.constant 1 : i32
    %dma_start3A_15 = arith.constant 1 : i32
    %dma_start3A_16 = arith.constant 0 : i32
    %dma_start3A_17 = arith.constant 0 : i32
    %dma_start3A_18 = tpu.memref_slice %arg6[%dma_start3A_15, %dma_start3A_16, %dma_start3A_17] : memref<8x128x32xf32, #tpu.memory_space<vmem>> -> memref<1x128x32xf32, #tpu.memory_space<vmem>>
    %dma_start3A_19 = tpu.memref_squeeze %dma_start3A_18 : memref<1x128x32xf32, #tpu.memory_space<vmem>> -> memref<128x32xf32, #tpu.memory_space<vmem>>
    %dma_start3A_20 = arith.constant 0 : i32
    %dma_start3A_21 = tpu.memref_slice %arg5[%dma_start3A_14, %dma_start3A_20] : memref<200x128xi32, #tpu.memory_space<vmem>> -> memref<1x128xi32, #tpu.memory_space<vmem>>
    %dma_start3A_22 = tpu.memref_squeeze %dma_start3A_21 : memref<1x128xi32, #tpu.memory_space<vmem>> -> memref<128xi32, #tpu.memory_space<vmem>>
    %dma_start3A_23 = arith.constant 0 : i32
    %dma_start3A_24 = arith.constant 0 : i32
    %dma_start3A_25 = tpu.memref_slice %arg2[%dma_start3A_23, %dma_start3A_24] : memref<1000000x32xf32, #tpu.memory_space<hbm>> -> memref<1000000x32xf32, #tpu.memory_space<hbm>>
    tpu.enqueue_indirect_dma source(%dma_start3A_25 : memref<1000000x32xf32, #tpu.memory_space<hbm>>) target(%dma_start3A_19 : memref<128x32xf32, #tpu.memory_space<vmem>>) offsets(%dma_start3A_22 : memref<128xi32, #tpu.memory_space<vmem>>) semaphore(%arg8 : memref<!tpu.dma_semaphore, #tpu.memory_space<semaphore_mem>>)
    %dma_start3A_26 = arith.constant 2 : i32
    %dma_start3A_27 = arith.constant 2 : i32
    %dma_start3A_28 = arith.constant 0 : i32
    %dma_start3A_29 = arith.constant 0 : i32
    %dma_start3A_30 = tpu.memref_slice %arg6[%dma_start3A_27, %dma_start3A_28, %dma_start3A_29] : memref<8x128x32xf32, #tpu.memory_space<vmem>> -> memref<1x128x32xf32, #tpu.memory_space<vmem>>
    %dma_start3A_31 = tpu.memref_squeeze %dma_start3A_30 : memref<1x128x32xf32, #tpu.memory_space<vmem>> -> memref<128x32xf32, #tpu.memory_space<vmem>>
    %dma_start3A_32 = arith.constant 0 : i32
    %dma_start3A_33 = tpu.memref_slice %arg5[%dma_start3A_26, %dma_start3A_32] : memref<200x128xi32, #tpu.memory_space<vmem>> -> memref<1x128xi32, #tpu.memory_space<vmem>>
    %dma_start3A_34 = tpu.memref_squeeze %dma_start3A_33 : memref<1x128xi32, #tpu.memory_space<vmem>> -> memref<128xi32, #tpu.memory_space<vmem>>
    %dma_start3A_35 = arith.constant 0 : i32
    %dma_start3A_36 = arith.constant 0 : i32
    %dma_start3A_37 = tpu.memref_slice %arg2[%dma_start3A_35, %dma_start3A_36] : memref<1000000x32xf32, #tpu.memory_space<hbm>> -> memref<1000000x32xf32, #tpu.memory_space<hbm>>
    tpu.enqueue_indirect_dma source(%dma_start3A_37 : memref<1000000x32xf32, #tpu.memory_space<hbm>>) target(%dma_start3A_31 : memref<128x32xf32, #tpu.memory_space<vmem>>) offsets(%dma_start3A_34 : memref<128xi32, #tpu.memory_space<vmem>>) semaphore(%arg9 : memref<!tpu.dma_semaphore, #tpu.memory_space<semaphore_mem>>)
    %dma_start3A_38 = arith.constant 3 : i32
    %dma_start3A_39 = arith.constant 3 : i32
    %dma_start3A_40 = arith.constant 0 : i32
    %dma_start3A_41 = arith.constant 0 : i32
    %dma_start3A_42 = tpu.memref_slice %arg6[%dma_start3A_39, %dma_start3A_40, %dma_start3A_41] : memref<8x128x32xf32, #tpu.memory_space<vmem>> -> memref<1x128x32xf32, #tpu.memory_space<vmem>>
    %dma_start3A_43 = tpu.memref_squeeze %dma_start3A_42 : memref<1x128x32xf32, #tpu.memory_space<vmem>> -> memref<128x32xf32, #tpu.memory_space<vmem>>
    %dma_start3A_44 = arith.constant 0 : i32
    %dma_start3A_45 = tpu.memref_slice %arg5[%dma_start3A_38, %dma_start3A_44] : memref<200x128xi32, #tpu.memory_space<vmem>> -> memref<1x128xi32, #tpu.memory_space<vmem>>
    %dma_start3A_46 = tpu.memref_squeeze %dma_start3A_45 : memref<1x128xi32, #tpu.memory_space<vmem>> -> memref<128xi32, #tpu.memory_space<vmem>>
    %dma_start3A_47 = arith.constant 0 : i32
    %dma_start3A_48 = arith.constant 0 : i32
    %dma_start3A_49 = tpu.memref_slice %arg2[%dma_start3A_47, %dma_start3A_48] : memref<1000000x32xf32, #tpu.memory_space<hbm>> -> memref<1000000x32xf32, #tpu.memory_space<hbm>>
    tpu.enqueue_indirect_dma source(%dma_start3A_49 : memref<1000000x32xf32, #tpu.memory_space<hbm>>) target(%dma_start3A_43 : memref<128x32xf32, #tpu.memory_space<vmem>>) offsets(%dma_start3A_46 : memref<128xi32, #tpu.memory_space<vmem>>) semaphore(%arg10 : memref<!tpu.dma_semaphore, #tpu.memory_space<semaphore_mem>>)
    %dma_start3A_50 = arith.constant 4 : i32
    %dma_start3A_51 = arith.constant 4 : i32
    %dma_start3A_52 = arith.constant 0 : i32
    %dma_start3A_53 = arith.constant 0 : i32
    %dma_start3A_54 = tpu.memref_slice %arg6[%dma_start3A_51, %dma_start3A_52, %dma_start3A_53] : memref<8x128x32xf32, #tpu.memory_space<vmem>> -> memref<1x128x32xf32, #tpu.memory_space<vmem>>
    %dma_start3A_55 = tpu.memref_squeeze %dma_start3A_54 : memref<1x128x32xf32, #tpu.memory_space<vmem>> -> memref<128x32xf32, #tpu.memory_space<vmem>>
    %dma_start3A_56 = arith.constant 0 : i32
    %dma_start3A_57 = tpu.memref_slice %arg5[%dma_start3A_50, %dma_start3A_56] : memref<200x128xi32, #tpu.memory_space<vmem>> -> memref<1x128xi32, #tpu.memory_space<vmem>>
    %dma_start3A_58 = tpu.memref_squeeze %dma_start3A_57 : memref<1x128xi32, #tpu.memory_space<vmem>> -> memref<128xi32, #tpu.memory_space<vmem>>
    %dma_start3A_59 = arith.constant 0 : i32
    %dma_start3A_60 = arith.constant 0 : i32
    %dma_start3A_61 = tpu.memref_slice %arg2[%dma_start3A_59, %dma_start3A_60] : memref<1000000x32xf32, #tpu.memory_space<hbm>> -> memref<1000000x32xf32, #tpu.memory_space<hbm>>
    tpu.enqueue_indirect_dma source(%dma_start3A_61 : memref<1000000x32xf32, #tpu.memory_space<hbm>>) target(%dma_start3A_55 : memref<128x32xf32, #tpu.memory_space<vmem>>) offsets(%dma_start3A_58 : memref<128xi32, #tpu.memory_space<vmem>>) semaphore(%arg11 : memref<!tpu.dma_semaphore, #tpu.memory_space<semaphore_mem>>)
    %dma_start3A_62 = arith.constant 5 : i32
    %dma_start3A_63 = arith.constant 5 : i32
    %dma_start3A_64 = arith.constant 0 : i32
    %dma_start3A_65 = arith.constant 0 : i32
    %dma_start3A_66 = tpu.memref_slice %arg6[%dma_start3A_63, %dma_start3A_64, %dma_start3A_65] : memref<8x128x32xf32, #tpu.memory_space<vmem>> -> memref<1x128x32xf32, #tpu.memory_space<vmem>>
    %dma_start3A_67 = tpu.memref_squeeze %dma_start3A_66 : memref<1x128x32xf32, #tpu.memory_space<vmem>> -> memref<128x32xf32, #tpu.memory_space<vmem>>
    %dma_start3A_68 = arith.constant 0 : i32
    %dma_start3A_69 = tpu.memref_slice %arg5[%dma_start3A_62, %dma_start3A_68] : memref<200x128xi32, #tpu.memory_space<vmem>> -> memref<1x128xi32, #tpu.memory_space<vmem>>
    %dma_start3A_70 = tpu.memref_squeeze %dma_start3A_69 : memref<1x128xi32, #tpu.memory_space<vmem>> -> memref<128xi32, #tpu.memory_space<vmem>>
    %dma_start3A_71 = arith.constant 0 : i32
    %dma_start3A_72 = arith.constant 0 : i32
    %dma_start3A_73 = tpu.memref_slice %arg2[%dma_start3A_71, %dma_start3A_72] : memref<1000000x32xf32, #tpu.memory_space<hbm>> -> memref<1000000x32xf32, #tpu.memory_space<hbm>>
    tpu.enqueue_indirect_dma source(%dma_start3A_73 : memref<1000000x32xf32, #tpu.memory_space<hbm>>) target(%dma_start3A_67 : memref<128x32xf32, #tpu.memory_space<vmem>>) offsets(%dma_start3A_70 : memref<128xi32, #tpu.memory_space<vmem>>) semaphore(%arg12 : memref<!tpu.dma_semaphore, #tpu.memory_space<semaphore_mem>>)
    %scan3A = arith.constant 0 : i32
    %scan3A_74 = arith.constant 0 : i32
    %scan3A_75 = arith.constant 25 : i32
    %scan3A_76 = arith.addi %scan3A_74, %scan3A_75 : i32
    %scan3A_77 = arith.constant 1 : i32
    scf.for %scan3A_108 = %scan3A_74 to %scan3A_76 step %scan3A_77  : i32 {
      %mul3A_109 = arith.constant 8 : i32
      %mul3A_110 = arith.muli %scan3A_108, %mul3A_109 : i32
      %add3A_111 = arith.constant 0 : i32
      %add3A_112 = arith.addi %mul3A_110, %add3A_111 : i32
      %add3A_113 = arith.constant 6 : i32
      %add3A_114 = arith.addi %add3A_112, %add3A_113 : i32
      %sub3A = arith.constant 8 : i32
      %sub3A_115 = arith.subi %add3A_114, %sub3A : i32
      %ge3A = arith.constant 0 : i32
      %ge3A_116 = arith.cmpi sge, %sub3A_115, %ge3A : i32
      %convert_element_type3A = arith.extui %ge3A_116 : i1 to i32
      %cond3A = arith.constant 0 : i32
      %cond3A_117 = arith.cmpi ne, %convert_element_type3A, %cond3A : i32
      scf.if %cond3A_117 {
        %add3A_480 = arith.constant 6 : i32
        %add3A_481 = arith.addi %add3A_112, %add3A_480 : i32
        %sub3A_482 = arith.constant 8 : i32
        %sub3A_483 = arith.subi %add3A_481, %sub3A_482 : i32
        %mul3A_484 = arith.constant 128 : i32
        %mul3A_485 = arith.muli %sub3A_483, %mul3A_484 : i32
        %add3A_486 = arith.addi %mul3A_2, %mul3A_485 : i32
        %dma_wait3A_487 = arith.constant 6 : i32
        %dma_wait3A_488 = arith.constant 0 : i32
        %dma_wait3A_489 = arith.constant 0 : i32
        %dma_wait3A_490 = tpu.memref_slice %arg6[%dma_wait3A_487, %dma_wait3A_488, %dma_wait3A_489] : memref<8x128x32xf32, #tpu.memory_space<vmem>> -> memref<1x128x32xf32, #tpu.memory_space<vmem>>
        %dma_wait3A_491 = tpu.memref_squeeze %dma_wait3A_490 : memref<1x128x32xf32, #tpu.memory_space<vmem>> -> memref<128x32xf32, #tpu.memory_space<vmem>>
        %dma_wait3A_492 = arith.constant 0 : i32
        %dma_wait3A_493 = tpu.memref_slice %arg4[%add3A_486, %dma_wait3A_492] : memref<819200x32xf32, #tpu.memory_space<hbm>> -> memref<128x32xf32, #tpu.memory_space<hbm>>
        %dma_wait3A_494 = arith.constant 0 : i32
        %dma_wait3A_495 = tpu.memref_slice %arg4[%add3A_486, %dma_wait3A_494] : memref<819200x32xf32, #tpu.memory_space<hbm>> -> memref<128x32xf32, #tpu.memory_space<hbm>>
        %dma_wait3A_496 = arith.constant 0 : i32
        %dma_wait3A_497 = arith.constant 0 : i32
        %dma_wait3A_498 = tpu.memref_slice %arg6[%dma_wait3A_487, %dma_wait3A_496, %dma_wait3A_497] : memref<8x128x32xf32, #tpu.memory_space<vmem>> -> memref<1x128x32xf32, #tpu.memory_space<vmem>>
        %dma_wait3A_499 = tpu.memref_squeeze %dma_wait3A_498 : memref<1x128x32xf32, #tpu.memory_space<vmem>> -> memref<128x32xf32, #tpu.memory_space<vmem>>
        tpu.wait_dma2 semaphore(%arg21 : memref<!tpu.dma_semaphore, #tpu.memory_space<semaphore_mem>>) src(%dma_wait3A_499 : memref<128x32xf32, #tpu.memory_space<vmem>>) dst(%dma_wait3A_495 : memref<128x32xf32, #tpu.memory_space<hbm>>)
      } else {
      }
      %add3A_118 = arith.constant 6 : i32
      %add3A_119 = arith.addi %add3A_112, %add3A_118 : i32
      %lt3A = arith.constant 200 : i32
      %lt3A_120 = arith.cmpi slt, %add3A_119, %lt3A : i32
      %convert_element_type3A_121 = arith.extui %lt3A_120 : i1 to i32
      %cond3A_122 = arith.constant 0 : i32
      %cond3A_123 = arith.cmpi ne, %convert_element_type3A_121, %cond3A_122 : i32
      scf.if %cond3A_123 {
        %add3A_480 = arith.constant 6 : i32
        %add3A_481 = arith.addi %add3A_112, %add3A_480 : i32
        %dma_start3A_482 = arith.constant 6 : i32
        %dma_start3A_483 = arith.constant 0 : i32
        %dma_start3A_484 = arith.constant 0 : i32
        %dma_start3A_485 = tpu.memref_slice %arg6[%dma_start3A_482, %dma_start3A_483, %dma_start3A_484] : memref<8x128x32xf32, #tpu.memory_space<vmem>> -> memref<1x128x32xf32, #tpu.memory_space<vmem>>
        %dma_start3A_486 = tpu.memref_squeeze %dma_start3A_485 : memref<1x128x32xf32, #tpu.memory_space<vmem>> -> memref<128x32xf32, #tpu.memory_space<vmem>>
        %dma_start3A_487 = arith.constant 0 : i32
        %dma_start3A_488 = tpu.memref_slice %arg5[%add3A_481, %dma_start3A_487] : memref<200x128xi32, #tpu.memory_space<vmem>> -> memref<1x128xi32, #tpu.memory_space<vmem>>
        %dma_start3A_489 = tpu.memref_squeeze %dma_start3A_488 : memref<1x128xi32, #tpu.memory_space<vmem>> -> memref<128xi32, #tpu.memory_space<vmem>>
        %dma_start3A_490 = arith.constant 0 : i32
        %dma_start3A_491 = arith.constant 0 : i32
        %dma_start3A_492 = tpu.memref_slice %arg2[%dma_start3A_490, %dma_start3A_491] : memref<1000000x32xf32, #tpu.memory_space<hbm>> -> memref<1000000x32xf32, #tpu.memory_space<hbm>>
        tpu.enqueue_indirect_dma source(%dma_start3A_492 : memref<1000000x32xf32, #tpu.memory_space<hbm>>) target(%dma_start3A_486 : memref<128x32xf32, #tpu.memory_space<vmem>>) offsets(%dma_start3A_489 : memref<128xi32, #tpu.memory_space<vmem>>) semaphore(%arg13 : memref<!tpu.dma_semaphore, #tpu.memory_space<semaphore_mem>>)
      } else {
      }
      %dma_wait3A_124 = arith.constant 0 : i32
      %dma_wait3A_125 = arith.constant 0 : i32
      %dma_wait3A_126 = arith.constant 0 : i32
      %dma_wait3A_127 = tpu.memref_slice %arg6[%dma_wait3A_124, %dma_wait3A_125, %dma_wait3A_126] : memref<8x128x32xf32, #tpu.memory_space<vmem>> -> memref<1x128x32xf32, #tpu.memory_space<vmem>>
      %dma_wait3A_128 = tpu.memref_squeeze %dma_wait3A_127 : memref<1x128x32xf32, #tpu.memory_space<vmem>> -> memref<128x32xf32, #tpu.memory_space<vmem>>
      %dma_wait3A_129 = arith.constant 0 : i32
      %dma_wait3A_130 = tpu.memref_slice %arg5[%add3A_112, %dma_wait3A_129] : memref<200x128xi32, #tpu.memory_space<vmem>> -> memref<1x128xi32, #tpu.memory_space<vmem>>
      %dma_wait3A_131 = tpu.memref_squeeze %dma_wait3A_130 : memref<1x128xi32, #tpu.memory_space<vmem>> -> memref<128xi32, #tpu.memory_space<vmem>>
      %dma_wait3A_132 = arith.constant 0 : i32
      %dma_wait3A_133 = arith.constant 0 : i32
      %dma_wait3A_134 = tpu.memref_slice %arg2[%dma_wait3A_132, %dma_wait3A_133] : memref<1000000x32xf32, #tpu.memory_space<hbm>> -> memref<1000000x32xf32, #tpu.memory_space<hbm>>
      tpu.wait_indirect_dma semaphore(%arg7 : memref<!tpu.dma_semaphore, #tpu.memory_space<semaphore_mem>>) src(%dma_wait3A_134 : memref<1000000x32xf32, #tpu.memory_space<hbm>>) dst(%dma_wait3A_128 : memref<128x32xf32, #tpu.memory_space<vmem>>)
      %mul3A_135 = arith.constant 128 : i32
      %mul3A_136 = arith.muli %add3A_112, %mul3A_135 : i32
      %add3A_137 = arith.addi %mul3A_2, %mul3A_136 : i32
      %dma_start3A_138 = arith.constant 0 : i32
      %dma_start3A_139 = arith.constant 0 : i32
      %dma_start3A_140 = arith.constant 0 : i32
      %dma_start3A_141 = tpu.memref_slice %arg6[%dma_start3A_138, %dma_start3A_139, %dma_start3A_140] : memref<8x128x32xf32, #tpu.memory_space<vmem>> -> memref<1x128x32xf32, #tpu.memory_space<vmem>>
      %dma_start3A_142 = tpu.memref_squeeze %dma_start3A_141 : memref<1x128x32xf32, #tpu.memory_space<vmem>> -> memref<128x32xf32, #tpu.memory_space<vmem>>
      %dma_start3A_143 = arith.constant 0 : i32
      %dma_start3A_144 = tpu.memref_slice %arg4[%add3A_137, %dma_start3A_143] : memref<819200x32xf32, #tpu.memory_space<hbm>> -> memref<128x32xf32, #tpu.memory_space<hbm>>
      %dma_start3A_145 = arith.constant 0 : i32
      %dma_start3A_146 = tpu.memref_slice %arg4[%add3A_137, %dma_start3A_145] : memref<819200x32xf32, #tpu.memory_space<hbm>> -> memref<128x32xf32, #tpu.memory_space<hbm>>
      %dma_start3A_147 = arith.constant 0 : i32
      %dma_start3A_148 = arith.constant 0 : i32
      %dma_start3A_149 = tpu.memref_slice %arg6[%dma_start3A_138, %dma_start3A_147, %dma_start3A_148] : memref<8x128x32xf32, #tpu.memory_space<vmem>> -> memref<1x128x32xf32, #tpu.memory_space<vmem>>
      %dma_start3A_150 = tpu.memref_squeeze %dma_start3A_149 : memref<1x128x32xf32, #tpu.memory_space<vmem>> -> memref<128x32xf32, #tpu.memory_space<vmem>>
      tpu.enqueue_dma source(%dma_start3A_150 : memref<128x32xf32, #tpu.memory_space<vmem>>) target(%dma_start3A_146 : memref<128x32xf32, #tpu.memory_space<hbm>>) target_semaphore(%arg15 : memref<!tpu.dma_semaphore, #tpu.memory_space<semaphore_mem>>)
      %mul3A_151 = arith.constant 8 : i32
      %mul3A_152 = arith.muli %scan3A_108, %mul3A_151 : i32
      %add3A_153 = arith.constant 1 : i32
      %add3A_154 = arith.addi %mul3A_152, %add3A_153 : i32
      %add3A_155 = arith.constant 6 : i32
      %add3A_156 = arith.addi %add3A_154, %add3A_155 : i32
      %sub3A_157 = arith.constant 8 : i32
      %sub3A_158 = arith.subi %add3A_156, %sub3A_157 : i32
      %ge3A_159 = arith.constant 0 : i32
      %ge3A_160 = arith.cmpi sge, %sub3A_158, %ge3A_159 : i32
      %convert_element_type3A_161 = arith.extui %ge3A_160 : i1 to i32
      %cond3A_162 = arith.constant 0 : i32
      %cond3A_163 = arith.cmpi ne, %convert_element_type3A_161, %cond3A_162 : i32
      scf.if %cond3A_163 {
        %add3A_480 = arith.constant 6 : i32
        %add3A_481 = arith.addi %add3A_154, %add3A_480 : i32
        %sub3A_482 = arith.constant 8 : i32
        %sub3A_483 = arith.subi %add3A_481, %sub3A_482 : i32
        %mul3A_484 = arith.constant 128 : i32
        %mul3A_485 = arith.muli %sub3A_483, %mul3A_484 : i32
        %add3A_486 = arith.addi %mul3A_2, %mul3A_485 : i32
        %dma_wait3A_487 = arith.constant 7 : i32
        %dma_wait3A_488 = arith.constant 0 : i32
        %dma_wait3A_489 = arith.constant 0 : i32
        %dma_wait3A_490 = tpu.memref_slice %arg6[%dma_wait3A_487, %dma_wait3A_488, %dma_wait3A_489] : memref<8x128x32xf32, #tpu.memory_space<vmem>> -> memref<1x128x32xf32, #tpu.memory_space<vmem>>
        %dma_wait3A_491 = tpu.memref_squeeze %dma_wait3A_490 : memref<1x128x32xf32, #tpu.memory_space<vmem>> -> memref<128x32xf32, #tpu.memory_space<vmem>>
        %dma_wait3A_492 = arith.constant 0 : i32
        %dma_wait3A_493 = tpu.memref_slice %arg4[%add3A_486, %dma_wait3A_492] : memref<819200x32xf32, #tpu.memory_space<hbm>> -> memref<128x32xf32, #tpu.memory_space<hbm>>
        %dma_wait3A_494 = arith.constant 0 : i32
        %dma_wait3A_495 = tpu.memref_slice %arg4[%add3A_486, %dma_wait3A_494] : memref<819200x32xf32, #tpu.memory_space<hbm>> -> memref<128x32xf32, #tpu.memory_space<hbm>>
        %dma_wait3A_496 = arith.constant 0 : i32
        %dma_wait3A_497 = arith.constant 0 : i32
        %dma_wait3A_498 = tpu.memref_slice %arg6[%dma_wait3A_487, %dma_wait3A_496, %dma_wait3A_497] : memref<8x128x32xf32, #tpu.memory_space<vmem>> -> memref<1x128x32xf32, #tpu.memory_space<vmem>>
        %dma_wait3A_499 = tpu.memref_squeeze %dma_wait3A_498 : memref<1x128x32xf32, #tpu.memory_space<vmem>> -> memref<128x32xf32, #tpu.memory_space<vmem>>
        tpu.wait_dma2 semaphore(%arg22 : memref<!tpu.dma_semaphore, #tpu.memory_space<semaphore_mem>>) src(%dma_wait3A_499 : memref<128x32xf32, #tpu.memory_space<vmem>>) dst(%dma_wait3A_495 : memref<128x32xf32, #tpu.memory_space<hbm>>)
      } else {
      }
      %add3A_164 = arith.constant 6 : i32
      %add3A_165 = arith.addi %add3A_154, %add3A_164 : i32
      %lt3A_166 = arith.constant 200 : i32
      %lt3A_167 = arith.cmpi slt, %add3A_165, %lt3A_166 : i32
      %convert_element_type3A_168 = arith.extui %lt3A_167 : i1 to i32
      %cond3A_169 = arith.constant 0 : i32
      %cond3A_170 = arith.cmpi ne, %convert_element_type3A_168, %cond3A_169 : i32
      scf.if %cond3A_170 {
        %add3A_480 = arith.constant 6 : i32
        %add3A_481 = arith.addi %add3A_154, %add3A_480 : i32
        %dma_start3A_482 = arith.constant 7 : i32
        %dma_start3A_483 = arith.constant 0 : i32
        %dma_start3A_484 = arith.constant 0 : i32
        %dma_start3A_485 = tpu.memref_slice %arg6[%dma_start3A_482, %dma_start3A_483, %dma_start3A_484] : memref<8x128x32xf32, #tpu.memory_space<vmem>> -> memref<1x128x32xf32, #tpu.memory_space<vmem>>
        %dma_start3A_486 = tpu.memref_squeeze %dma_start3A_485 : memref<1x128x32xf32, #tpu.memory_space<vmem>> -> memref<128x32xf32, #tpu.memory_space<vmem>>
        %dma_start3A_487 = arith.constant 0 : i32
        %dma_start3A_488 = tpu.memref_slice %arg5[%add3A_481, %dma_start3A_487] : memref<200x128xi32, #tpu.memory_space<vmem>> -> memref<1x128xi32, #tpu.memory_space<vmem>>
        %dma_start3A_489 = tpu.memref_squeeze %dma_start3A_488 : memref<1x128xi32, #tpu.memory_space<vmem>> -> memref<128xi32, #tpu.memory_space<vmem>>
        %dma_start3A_490 = arith.constant 0 : i32
        %dma_start3A_491 = arith.constant 0 : i32
        %dma_start3A_492 = tpu.memref_slice %arg2[%dma_start3A_490, %dma_start3A_491] : memref<1000000x32xf32, #tpu.memory_space<hbm>> -> memref<1000000x32xf32, #tpu.memory_space<hbm>>
        tpu.enqueue_indirect_dma source(%dma_start3A_492 : memref<1000000x32xf32, #tpu.memory_space<hbm>>) target(%dma_start3A_486 : memref<128x32xf32, #tpu.memory_space<vmem>>) offsets(%dma_start3A_489 : memref<128xi32, #tpu.memory_space<vmem>>) semaphore(%arg14 : memref<!tpu.dma_semaphore, #tpu.memory_space<semaphore_mem>>)
      } else {
      }
      %dma_wait3A_171 = arith.constant 1 : i32
      %dma_wait3A_172 = arith.constant 0 : i32
      %dma_wait3A_173 = arith.constant 0 : i32
      %dma_wait3A_174 = tpu.memref_slice %arg6[%dma_wait3A_171, %dma_wait3A_172, %dma_wait3A_173] : memref<8x128x32xf32, #tpu.memory_space<vmem>> -> memref<1x128x32xf32, #tpu.memory_space<vmem>>
      %dma_wait3A_175 = tpu.memref_squeeze %dma_wait3A_174 : memref<1x128x32xf32, #tpu.memory_space<vmem>> -> memref<128x32xf32, #tpu.memory_space<vmem>>
      %dma_wait3A_176 = arith.constant 0 : i32
      %dma_wait3A_177 = tpu.memref_slice %arg5[%add3A_154, %dma_wait3A_176] : memref<200x128xi32, #tpu.memory_space<vmem>> -> memref<1x128xi32, #tpu.memory_space<vmem>>
      %dma_wait3A_178 = tpu.memref_squeeze %dma_wait3A_177 : memref<1x128xi32, #tpu.memory_space<vmem>> -> memref<128xi32, #tpu.memory_space<vmem>>
      %dma_wait3A_179 = arith.constant 0 : i32
      %dma_wait3A_180 = arith.constant 0 : i32
      %dma_wait3A_181 = tpu.memref_slice %arg2[%dma_wait3A_179, %dma_wait3A_180] : memref<1000000x32xf32, #tpu.memory_space<hbm>> -> memref<1000000x32xf32, #tpu.memory_space<hbm>>
      tpu.wait_indirect_dma semaphore(%arg8 : memref<!tpu.dma_semaphore, #tpu.memory_space<semaphore_mem>>) src(%dma_wait3A_181 : memref<1000000x32xf32, #tpu.memory_space<hbm>>) dst(%dma_wait3A_175 : memref<128x32xf32, #tpu.memory_space<vmem>>)
      %mul3A_182 = arith.constant 128 : i32
      %mul3A_183 = arith.muli %add3A_154, %mul3A_182 : i32
      %add3A_184 = arith.addi %mul3A_2, %mul3A_183 : i32
      %dma_start3A_185 = arith.constant 1 : i32
      %dma_start3A_186 = arith.constant 0 : i32
      %dma_start3A_187 = arith.constant 0 : i32
      %dma_start3A_188 = tpu.memref_slice %arg6[%dma_start3A_185, %dma_start3A_186, %dma_start3A_187] : memref<8x128x32xf32, #tpu.memory_space<vmem>> -> memref<1x128x32xf32, #tpu.memory_space<vmem>>
      %dma_start3A_189 = tpu.memref_squeeze %dma_start3A_188 : memref<1x128x32xf32, #tpu.memory_space<vmem>> -> memref<128x32xf32, #tpu.memory_space<vmem>>
      %dma_start3A_190 = arith.constant 0 : i32
      %dma_start3A_191 = tpu.memref_slice %arg4[%add3A_184, %dma_start3A_190] : memref<819200x32xf32, #tpu.memory_space<hbm>> -> memref<128x32xf32, #tpu.memory_space<hbm>>
      %dma_start3A_192 = arith.constant 0 : i32
      %dma_start3A_193 = tpu.memref_slice %arg4[%add3A_184, %dma_start3A_192] : memref<819200x32xf32, #tpu.memory_space<hbm>> -> memref<128x32xf32, #tpu.memory_space<hbm>>
      %dma_start3A_194 = arith.constant 0 : i32
      %dma_start3A_195 = arith.constant 0 : i32
      %dma_start3A_196 = tpu.memref_slice %arg6[%dma_start3A_185, %dma_start3A_194, %dma_start3A_195] : memref<8x128x32xf32, #tpu.memory_space<vmem>> -> memref<1x128x32xf32, #tpu.memory_space<vmem>>
      %dma_start3A_197 = tpu.memref_squeeze %dma_start3A_196 : memref<1x128x32xf32, #tpu.memory_space<vmem>> -> memref<128x32xf32, #tpu.memory_space<vmem>>
      tpu.enqueue_dma source(%dma_start3A_197 : memref<128x32xf32, #tpu.memory_space<vmem>>) target(%dma_start3A_193 : memref<128x32xf32, #tpu.memory_space<hbm>>) target_semaphore(%arg16 : memref<!tpu.dma_semaphore, #tpu.memory_space<semaphore_mem>>)
      %mul3A_198 = arith.constant 8 : i32
      %mul3A_199 = arith.muli %scan3A_108, %mul3A_198 : i32
      %add3A_200 = arith.constant 2 : i32
      %add3A_201 = arith.addi %mul3A_199, %add3A_200 : i32
      %add3A_202 = arith.constant 6 : i32
      %add3A_203 = arith.addi %add3A_201, %add3A_202 : i32
      %sub3A_204 = arith.constant 8 : i32
      %sub3A_205 = arith.subi %add3A_203, %sub3A_204 : i32
      %ge3A_206 = arith.constant 0 : i32
      %ge3A_207 = arith.cmpi sge, %sub3A_205, %ge3A_206 : i32
      %convert_element_type3A_208 = arith.extui %ge3A_207 : i1 to i32
      %cond3A_209 = arith.constant 0 : i32
      %cond3A_210 = arith.cmpi ne, %convert_element_type3A_208, %cond3A_209 : i32
      scf.if %cond3A_210 {
        %add3A_480 = arith.constant 6 : i32
        %add3A_481 = arith.addi %add3A_201, %add3A_480 : i32
        %sub3A_482 = arith.constant 8 : i32
        %sub3A_483 = arith.subi %add3A_481, %sub3A_482 : i32
        %mul3A_484 = arith.constant 128 : i32
        %mul3A_485 = arith.muli %sub3A_483, %mul3A_484 : i32
        %add3A_486 = arith.addi %mul3A_2, %mul3A_485 : i32
        %dma_wait3A_487 = arith.constant 0 : i32
        %dma_wait3A_488 = arith.constant 0 : i32
        %dma_wait3A_489 = arith.constant 0 : i32
        %dma_wait3A_490 = tpu.memref_slice %arg6[%dma_wait3A_487, %dma_wait3A_488, %dma_wait3A_489] : memref<8x128x32xf32, #tpu.memory_space<vmem>> -> memref<1x128x32xf32, #tpu.memory_space<vmem>>
        %dma_wait3A_491 = tpu.memref_squeeze %dma_wait3A_490 : memref<1x128x32xf32, #tpu.memory_space<vmem>> -> memref<128x32xf32, #tpu.memory_space<vmem>>
        %dma_wait3A_492 = arith.constant 0 : i32
        %dma_wait3A_493 = tpu.memref_slice %arg4[%add3A_486, %dma_wait3A_492] : memref<819200x32xf32, #tpu.memory_space<hbm>> -> memref<128x32xf32, #tpu.memory_space<hbm>>
        %dma_wait3A_494 = arith.constant 0 : i32
        %dma_wait3A_495 = tpu.memref_slice %arg4[%add3A_486, %dma_wait3A_494] : memref<819200x32xf32, #tpu.memory_space<hbm>> -> memref<128x32xf32, #tpu.memory_space<hbm>>
        %dma_wait3A_496 = arith.constant 0 : i32
        %dma_wait3A_497 = arith.constant 0 : i32
        %dma_wait3A_498 = tpu.memref_slice %arg6[%dma_wait3A_487, %dma_wait3A_496, %dma_wait3A_497] : memref<8x128x32xf32, #tpu.memory_space<vmem>> -> memref<1x128x32xf32, #tpu.memory_space<vmem>>
        %dma_wait3A_499 = tpu.memref_squeeze %dma_wait3A_498 : memref<1x128x32xf32, #tpu.memory_space<vmem>> -> memref<128x32xf32, #tpu.memory_space<vmem>>
        tpu.wait_dma2 semaphore(%arg15 : memref<!tpu.dma_semaphore, #tpu.memory_space<semaphore_mem>>) src(%dma_wait3A_499 : memref<128x32xf32, #tpu.memory_space<vmem>>) dst(%dma_wait3A_495 : memref<128x32xf32, #tpu.memory_space<hbm>>)
      } else {
      }
      %add3A_211 = arith.constant 6 : i32
      %add3A_212 = arith.addi %add3A_201, %add3A_211 : i32
      %lt3A_213 = arith.constant 200 : i32
      %lt3A_214 = arith.cmpi slt, %add3A_212, %lt3A_213 : i32
      %convert_element_type3A_215 = arith.extui %lt3A_214 : i1 to i32
      %cond3A_216 = arith.constant 0 : i32
      %cond3A_217 = arith.cmpi ne, %convert_element_type3A_215, %cond3A_216 : i32
      scf.if %cond3A_217 {
        %add3A_480 = arith.constant 6 : i32
        %add3A_481 = arith.addi %add3A_201, %add3A_480 : i32
        %dma_start3A_482 = arith.constant 0 : i32
        %dma_start3A_483 = arith.constant 0 : i32
        %dma_start3A_484 = arith.constant 0 : i32
        %dma_start3A_485 = tpu.memref_slice %arg6[%dma_start3A_482, %dma_start3A_483, %dma_start3A_484] : memref<8x128x32xf32, #tpu.memory_space<vmem>> -> memref<1x128x32xf32, #tpu.memory_space<vmem>>
        %dma_start3A_486 = tpu.memref_squeeze %dma_start3A_485 : memref<1x128x32xf32, #tpu.memory_space<vmem>> -> memref<128x32xf32, #tpu.memory_space<vmem>>
        %dma_start3A_487 = arith.constant 0 : i32
        %dma_start3A_488 = tpu.memref_slice %arg5[%add3A_481, %dma_start3A_487] : memref<200x128xi32, #tpu.memory_space<vmem>> -> memref<1x128xi32, #tpu.memory_space<vmem>>
        %dma_start3A_489 = tpu.memref_squeeze %dma_start3A_488 : memref<1x128xi32, #tpu.memory_space<vmem>> -> memref<128xi32, #tpu.memory_space<vmem>>
        %dma_start3A_490 = arith.constant 0 : i32
        %dma_start3A_491 = arith.constant 0 : i32
        %dma_start3A_492 = tpu.memref_slice %arg2[%dma_start3A_490, %dma_start3A_491] : memref<1000000x32xf32, #tpu.memory_space<hbm>> -> memref<1000000x32xf32, #tpu.memory_space<hbm>>
        tpu.enqueue_indirect_dma source(%dma_start3A_492 : memref<1000000x32xf32, #tpu.memory_space<hbm>>) target(%dma_start3A_486 : memref<128x32xf32, #tpu.memory_space<vmem>>) offsets(%dma_start3A_489 : memref<128xi32, #tpu.memory_space<vmem>>) semaphore(%arg7 : memref<!tpu.dma_semaphore, #tpu.memory_space<semaphore_mem>>)
      } else {
      }
      %dma_wait3A_218 = arith.constant 2 : i32
      %dma_wait3A_219 = arith.constant 0 : i32
      %dma_wait3A_220 = arith.constant 0 : i32
      %dma_wait3A_221 = tpu.memref_slice %arg6[%dma_wait3A_218, %dma_wait3A_219, %dma_wait3A_220] : memref<8x128x32xf32, #tpu.memory_space<vmem>> -> memref<1x128x32xf32, #tpu.memory_space<vmem>>
      %dma_wait3A_222 = tpu.memref_squeeze %dma_wait3A_221 : memref<1x128x32xf32, #tpu.memory_space<vmem>> -> memref<128x32xf32, #tpu.memory_space<vmem>>
      %dma_wait3A_223 = arith.constant 0 : i32
      %dma_wait3A_224 = tpu.memref_slice %arg5[%add3A_201, %dma_wait3A_223] : memref<200x128xi32, #tpu.memory_space<vmem>> -> memref<1x128xi32, #tpu.memory_space<vmem>>
      %dma_wait3A_225 = tpu.memref_squeeze %dma_wait3A_224 : memref<1x128xi32, #tpu.memory_space<vmem>> -> memref<128xi32, #tpu.memory_space<vmem>>
      %dma_wait3A_226 = arith.constant 0 : i32
      %dma_wait3A_227 = arith.constant 0 : i32
      %dma_wait3A_228 = tpu.memref_slice %arg2[%dma_wait3A_226, %dma_wait3A_227] : memref<1000000x32xf32, #tpu.memory_space<hbm>> -> memref<1000000x32xf32, #tpu.memory_space<hbm>>
      tpu.wait_indirect_dma semaphore(%arg9 : memref<!tpu.dma_semaphore, #tpu.memory_space<semaphore_mem>>) src(%dma_wait3A_228 : memref<1000000x32xf32, #tpu.memory_space<hbm>>) dst(%dma_wait3A_222 : memref<128x32xf32, #tpu.memory_space<vmem>>)
      %mul3A_229 = arith.constant 128 : i32
      %mul3A_230 = arith.muli %add3A_201, %mul3A_229 : i32
      %add3A_231 = arith.addi %mul3A_2, %mul3A_230 : i32
      %dma_start3A_232 = arith.constant 2 : i32
      %dma_start3A_233 = arith.constant 0 : i32
      %dma_start3A_234 = arith.constant 0 : i32
      %dma_start3A_235 = tpu.memref_slice %arg6[%dma_start3A_232, %dma_start3A_233, %dma_start3A_234] : memref<8x128x32xf32, #tpu.memory_space<vmem>> -> memref<1x128x32xf32, #tpu.memory_space<vmem>>
      %dma_start3A_236 = tpu.memref_squeeze %dma_start3A_235 : memref<1x128x32xf32, #tpu.memory_space<vmem>> -> memref<128x32xf32, #tpu.memory_space<vmem>>
      %dma_start3A_237 = arith.constant 0 : i32
      %dma_start3A_238 = tpu.memref_slice %arg4[%add3A_231, %dma_start3A_237] : memref<819200x32xf32, #tpu.memory_space<hbm>> -> memref<128x32xf32, #tpu.memory_space<hbm>>
      %dma_start3A_239 = arith.constant 0 : i32
      %dma_start3A_240 = tpu.memref_slice %arg4[%add3A_231, %dma_start3A_239] : memref<819200x32xf32, #tpu.memory_space<hbm>> -> memref<128x32xf32, #tpu.memory_space<hbm>>
      %dma_start3A_241 = arith.constant 0 : i32
      %dma_start3A_242 = arith.constant 0 : i32
      %dma_start3A_243 = tpu.memref_slice %arg6[%dma_start3A_232, %dma_start3A_241, %dma_start3A_242] : memref<8x128x32xf32, #tpu.memory_space<vmem>> -> memref<1x128x32xf32, #tpu.memory_space<vmem>>
      %dma_start3A_244 = tpu.memref_squeeze %dma_start3A_243 : memref<1x128x32xf32, #tpu.memory_space<vmem>> -> memref<128x32xf32, #tpu.memory_space<vmem>>
      tpu.enqueue_dma source(%dma_start3A_244 : memref<128x32xf32, #tpu.memory_space<vmem>>) target(%dma_start3A_240 : memref<128x32xf32, #tpu.memory_space<hbm>>) target_semaphore(%arg17 : memref<!tpu.dma_semaphore, #tpu.memory_space<semaphore_mem>>)
      %mul3A_245 = arith.constant 8 : i32
      %mul3A_246 = arith.muli %scan3A_108, %mul3A_245 : i32
      %add3A_247 = arith.constant 3 : i32
      %add3A_248 = arith.addi %mul3A_246, %add3A_247 : i32
      %add3A_249 = arith.constant 6 : i32
      %add3A_250 = arith.addi %add3A_248, %add3A_249 : i32
      %sub3A_251 = arith.constant 8 : i32
      %sub3A_252 = arith.subi %add3A_250, %sub3A_251 : i32
      %ge3A_253 = arith.constant 0 : i32
      %ge3A_254 = arith.cmpi sge, %sub3A_252, %ge3A_253 : i32
      %convert_element_type3A_255 = arith.extui %ge3A_254 : i1 to i32
      %cond3A_256 = arith.constant 0 : i32
      %cond3A_257 = arith.cmpi ne, %convert_element_type3A_255, %cond3A_256 : i32
      scf.if %cond3A_257 {
        %add3A_480 = arith.constant 6 : i32
        %add3A_481 = arith.addi %add3A_248, %add3A_480 : i32
        %sub3A_482 = arith.constant 8 : i32
        %sub3A_483 = arith.subi %add3A_481, %sub3A_482 : i32
        %mul3A_484 = arith.constant 128 : i32
        %mul3A_485 = arith.muli %sub3A_483, %mul3A_484 : i32
        %add3A_486 = arith.addi %mul3A_2, %mul3A_485 : i32
        %dma_wait3A_487 = arith.constant 1 : i32
        %dma_wait3A_488 = arith.constant 0 : i32
        %dma_wait3A_489 = arith.constant 0 : i32
        %dma_wait3A_490 = tpu.memref_slice %arg6[%dma_wait3A_487, %dma_wait3A_488, %dma_wait3A_489] : memref<8x128x32xf32, #tpu.memory_space<vmem>> -> memref<1x128x32xf32, #tpu.memory_space<vmem>>
        %dma_wait3A_491 = tpu.memref_squeeze %dma_wait3A_490 : memref<1x128x32xf32, #tpu.memory_space<vmem>> -> memref<128x32xf32, #tpu.memory_space<vmem>>
        %dma_wait3A_492 = arith.constant 0 : i32
        %dma_wait3A_493 = tpu.memref_slice %arg4[%add3A_486, %dma_wait3A_492] : memref<819200x32xf32, #tpu.memory_space<hbm>> -> memref<128x32xf32, #tpu.memory_space<hbm>>
        %dma_wait3A_494 = arith.constant 0 : i32
        %dma_wait3A_495 = tpu.memref_slice %arg4[%add3A_486, %dma_wait3A_494] : memref<819200x32xf32, #tpu.memory_space<hbm>> -> memref<128x32xf32, #tpu.memory_space<hbm>>
        %dma_wait3A_496 = arith.constant 0 : i32
        %dma_wait3A_497 = arith.constant 0 : i32
        %dma_wait3A_498 = tpu.memref_slice %arg6[%dma_wait3A_487, %dma_wait3A_496, %dma_wait3A_497] : memref<8x128x32xf32, #tpu.memory_space<vmem>> -> memref<1x128x32xf32, #tpu.memory_space<vmem>>
        %dma_wait3A_499 = tpu.memref_squeeze %dma_wait3A_498 : memref<1x128x32xf32, #tpu.memory_space<vmem>> -> memref<128x32xf32, #tpu.memory_space<vmem>>
        tpu.wait_dma2 semaphore(%arg16 : memref<!tpu.dma_semaphore, #tpu.memory_space<semaphore_mem>>) src(%dma_wait3A_499 : memref<128x32xf32, #tpu.memory_space<vmem>>) dst(%dma_wait3A_495 : memref<128x32xf32, #tpu.memory_space<hbm>>)
      } else {
      }
      %add3A_258 = arith.constant 6 : i32
      %add3A_259 = arith.addi %add3A_248, %add3A_258 : i32
      %lt3A_260 = arith.constant 200 : i32
      %lt3A_261 = arith.cmpi slt, %add3A_259, %lt3A_260 : i32
      %convert_element_type3A_262 = arith.extui %lt3A_261 : i1 to i32
      %cond3A_263 = arith.constant 0 : i32
      %cond3A_264 = arith.cmpi ne, %convert_element_type3A_262, %cond3A_263 : i32
      scf.if %cond3A_264 {
        %add3A_480 = arith.constant 6 : i32
        %add3A_481 = arith.addi %add3A_248, %add3A_480 : i32
        %dma_start3A_482 = arith.constant 1 : i32
        %dma_start3A_483 = arith.constant 0 : i32
        %dma_start3A_484 = arith.constant 0 : i32
        %dma_start3A_485 = tpu.memref_slice %arg6[%dma_start3A_482, %dma_start3A_483, %dma_start3A_484] : memref<8x128x32xf32, #tpu.memory_space<vmem>> -> memref<1x128x32xf32, #tpu.memory_space<vmem>>
        %dma_start3A_486 = tpu.memref_squeeze %dma_start3A_485 : memref<1x128x32xf32, #tpu.memory_space<vmem>> -> memref<128x32xf32, #tpu.memory_space<vmem>>
        %dma_start3A_487 = arith.constant 0 : i32
        %dma_start3A_488 = tpu.memref_slice %arg5[%add3A_481, %dma_start3A_487] : memref<200x128xi32, #tpu.memory_space<vmem>> -> memref<1x128xi32, #tpu.memory_space<vmem>>
        %dma_start3A_489 = tpu.memref_squeeze %dma_start3A_488 : memref<1x128xi32, #tpu.memory_space<vmem>> -> memref<128xi32, #tpu.memory_space<vmem>>
        %dma_start3A_490 = arith.constant 0 : i32
        %dma_start3A_491 = arith.constant 0 : i32
        %dma_start3A_492 = tpu.memref_slice %arg2[%dma_start3A_490, %dma_start3A_491] : memref<1000000x32xf32, #tpu.memory_space<hbm>> -> memref<1000000x32xf32, #tpu.memory_space<hbm>>
        tpu.enqueue_indirect_dma source(%dma_start3A_492 : memref<1000000x32xf32, #tpu.memory_space<hbm>>) target(%dma_start3A_486 : memref<128x32xf32, #tpu.memory_space<vmem>>) offsets(%dma_start3A_489 : memref<128xi32, #tpu.memory_space<vmem>>) semaphore(%arg8 : memref<!tpu.dma_semaphore, #tpu.memory_space<semaphore_mem>>)
      } else {
      }
      %dma_wait3A_265 = arith.constant 3 : i32
      %dma_wait3A_266 = arith.constant 0 : i32
      %dma_wait3A_267 = arith.constant 0 : i32
      %dma_wait3A_268 = tpu.memref_slice %arg6[%dma_wait3A_265, %dma_wait3A_266, %dma_wait3A_267] : memref<8x128x32xf32, #tpu.memory_space<vmem>> -> memref<1x128x32xf32, #tpu.memory_space<vmem>>
      %dma_wait3A_269 = tpu.memref_squeeze %dma_wait3A_268 : memref<1x128x32xf32, #tpu.memory_space<vmem>> -> memref<128x32xf32, #tpu.memory_space<vmem>>
      %dma_wait3A_270 = arith.constant 0 : i32
      %dma_wait3A_271 = tpu.memref_slice %arg5[%add3A_248, %dma_wait3A_270] : memref<200x128xi32, #tpu.memory_space<vmem>> -> memref<1x128xi32, #tpu.memory_space<vmem>>
      %dma_wait3A_272 = tpu.memref_squeeze %dma_wait3A_271 : memref<1x128xi32, #tpu.memory_space<vmem>> -> memref<128xi32, #tpu.memory_space<vmem>>
      %dma_wait3A_273 = arith.constant 0 : i32
      %dma_wait3A_274 = arith.constant 0 : i32
      %dma_wait3A_275 = tpu.memref_slice %arg2[%dma_wait3A_273, %dma_wait3A_274] : memref<1000000x32xf32, #tpu.memory_space<hbm>> -> memref<1000000x32xf32, #tpu.memory_space<hbm>>
      tpu.wait_indirect_dma semaphore(%arg10 : memref<!tpu.dma_semaphore, #tpu.memory_space<semaphore_mem>>) src(%dma_wait3A_275 : memref<1000000x32xf32, #tpu.memory_space<hbm>>) dst(%dma_wait3A_269 : memref<128x32xf32, #tpu.memory_space<vmem>>)
      %mul3A_276 = arith.constant 128 : i32
      %mul3A_277 = arith.muli %add3A_248, %mul3A_276 : i32
      %add3A_278 = arith.addi %mul3A_2, %mul3A_277 : i32
      %dma_start3A_279 = arith.constant 3 : i32
      %dma_start3A_280 = arith.constant 0 : i32
      %dma_start3A_281 = arith.constant 0 : i32
      %dma_start3A_282 = tpu.memref_slice %arg6[%dma_start3A_279, %dma_start3A_280, %dma_start3A_281] : memref<8x128x32xf32, #tpu.memory_space<vmem>> -> memref<1x128x32xf32, #tpu.memory_space<vmem>>
      %dma_start3A_283 = tpu.memref_squeeze %dma_start3A_282 : memref<1x128x32xf32, #tpu.memory_space<vmem>> -> memref<128x32xf32, #tpu.memory_space<vmem>>
      %dma_start3A_284 = arith.constant 0 : i32
      %dma_start3A_285 = tpu.memref_slice %arg4[%add3A_278, %dma_start3A_284] : memref<819200x32xf32, #tpu.memory_space<hbm>> -> memref<128x32xf32, #tpu.memory_space<hbm>>
      %dma_start3A_286 = arith.constant 0 : i32
      %dma_start3A_287 = tpu.memref_slice %arg4[%add3A_278, %dma_start3A_286] : memref<819200x32xf32, #tpu.memory_space<hbm>> -> memref<128x32xf32, #tpu.memory_space<hbm>>
      %dma_start3A_288 = arith.constant 0 : i32
      %dma_start3A_289 = arith.constant 0 : i32
      %dma_start3A_290 = tpu.memref_slice %arg6[%dma_start3A_279, %dma_start3A_288, %dma_start3A_289] : memref<8x128x32xf32, #tpu.memory_space<vmem>> -> memref<1x128x32xf32, #tpu.memory_space<vmem>>
      %dma_start3A_291 = tpu.memref_squeeze %dma_start3A_290 : memref<1x128x32xf32, #tpu.memory_space<vmem>> -> memref<128x32xf32, #tpu.memory_space<vmem>>
      tpu.enqueue_dma source(%dma_start3A_291 : memref<128x32xf32, #tpu.memory_space<vmem>>) target(%dma_start3A_287 : memref<128x32xf32, #tpu.memory_space<hbm>>) target_semaphore(%arg18 : memref<!tpu.dma_semaphore, #tpu.memory_space<semaphore_mem>>)
      %mul3A_292 = arith.constant 8 : i32
      %mul3A_293 = arith.muli %scan3A_108, %mul3A_292 : i32
      %add3A_294 = arith.constant 4 : i32
      %add3A_295 = arith.addi %mul3A_293, %add3A_294 : i32
      %add3A_296 = arith.constant 6 : i32
      %add3A_297 = arith.addi %add3A_295, %add3A_296 : i32
      %sub3A_298 = arith.constant 8 : i32
      %sub3A_299 = arith.subi %add3A_297, %sub3A_298 : i32
      %ge3A_300 = arith.constant 0 : i32
      %ge3A_301 = arith.cmpi sge, %sub3A_299, %ge3A_300 : i32
      %convert_element_type3A_302 = arith.extui %ge3A_301 : i1 to i32
      %cond3A_303 = arith.constant 0 : i32
      %cond3A_304 = arith.cmpi ne, %convert_element_type3A_302, %cond3A_303 : i32
      scf.if %cond3A_304 {
        %add3A_480 = arith.constant 6 : i32
        %add3A_481 = arith.addi %add3A_295, %add3A_480 : i32
        %sub3A_482 = arith.constant 8 : i32
        %sub3A_483 = arith.subi %add3A_481, %sub3A_482 : i32
        %mul3A_484 = arith.constant 128 : i32
        %mul3A_485 = arith.muli %sub3A_483, %mul3A_484 : i32
        %add3A_486 = arith.addi %mul3A_2, %mul3A_485 : i32
        %dma_wait3A_487 = arith.constant 2 : i32
        %dma_wait3A_488 = arith.constant 0 : i32
        %dma_wait3A_489 = arith.constant 0 : i32
        %dma_wait3A_490 = tpu.memref_slice %arg6[%dma_wait3A_487, %dma_wait3A_488, %dma_wait3A_489] : memref<8x128x32xf32, #tpu.memory_space<vmem>> -> memref<1x128x32xf32, #tpu.memory_space<vmem>>
        %dma_wait3A_491 = tpu.memref_squeeze %dma_wait3A_490 : memref<1x128x32xf32, #tpu.memory_space<vmem>> -> memref<128x32xf32, #tpu.memory_space<vmem>>
        %dma_wait3A_492 = arith.constant 0 : i32
        %dma_wait3A_493 = tpu.memref_slice %arg4[%add3A_486, %dma_wait3A_492] : memref<819200x32xf32, #tpu.memory_space<hbm>> -> memref<128x32xf32, #tpu.memory_space<hbm>>
        %dma_wait3A_494 = arith.constant 0 : i32
        %dma_wait3A_495 = tpu.memref_slice %arg4[%add3A_486, %dma_wait3A_494] : memref<819200x32xf32, #tpu.memory_space<hbm>> -> memref<128x32xf32, #tpu.memory_space<hbm>>
        %dma_wait3A_496 = arith.constant 0 : i32
        %dma_wait3A_497 = arith.constant 0 : i32
        %dma_wait3A_498 = tpu.memref_slice %arg6[%dma_wait3A_487, %dma_wait3A_496, %dma_wait3A_497] : memref<8x128x32xf32, #tpu.memory_space<vmem>> -> memref<1x128x32xf32, #tpu.memory_space<vmem>>
        %dma_wait3A_499 = tpu.memref_squeeze %dma_wait3A_498 : memref<1x128x32xf32, #tpu.memory_space<vmem>> -> memref<128x32xf32, #tpu.memory_space<vmem>>
        tpu.wait_dma2 semaphore(%arg17 : memref<!tpu.dma_semaphore, #tpu.memory_space<semaphore_mem>>) src(%dma_wait3A_499 : memref<128x32xf32, #tpu.memory_space<vmem>>) dst(%dma_wait3A_495 : memref<128x32xf32, #tpu.memory_space<hbm>>)
      } else {
      }
      %add3A_305 = arith.constant 6 : i32
      %add3A_306 = arith.addi %add3A_295, %add3A_305 : i32
      %lt3A_307 = arith.constant 200 : i32
      %lt3A_308 = arith.cmpi slt, %add3A_306, %lt3A_307 : i32
      %convert_element_type3A_309 = arith.extui %lt3A_308 : i1 to i32
      %cond3A_310 = arith.constant 0 : i32
      %cond3A_311 = arith.cmpi ne, %convert_element_type3A_309, %cond3A_310 : i32
      scf.if %cond3A_311 {
        %add3A_480 = arith.constant 6 : i32
        %add3A_481 = arith.addi %add3A_295, %add3A_480 : i32
        %dma_start3A_482 = arith.constant 2 : i32
        %dma_start3A_483 = arith.constant 0 : i32
        %dma_start3A_484 = arith.constant 0 : i32
        %dma_start3A_485 = tpu.memref_slice %arg6[%dma_start3A_482, %dma_start3A_483, %dma_start3A_484] : memref<8x128x32xf32, #tpu.memory_space<vmem>> -> memref<1x128x32xf32, #tpu.memory_space<vmem>>
        %dma_start3A_486 = tpu.memref_squeeze %dma_start3A_485 : memref<1x128x32xf32, #tpu.memory_space<vmem>> -> memref<128x32xf32, #tpu.memory_space<vmem>>
        %dma_start3A_487 = arith.constant 0 : i32
        %dma_start3A_488 = tpu.memref_slice %arg5[%add3A_481, %dma_start3A_487] : memref<200x128xi32, #tpu.memory_space<vmem>> -> memref<1x128xi32, #tpu.memory_space<vmem>>
        %dma_start3A_489 = tpu.memref_squeeze %dma_start3A_488 : memref<1x128xi32, #tpu.memory_space<vmem>> -> memref<128xi32, #tpu.memory_space<vmem>>
        %dma_start3A_490 = arith.constant 0 : i32
        %dma_start3A_491 = arith.constant 0 : i32
        %dma_start3A_492 = tpu.memref_slice %arg2[%dma_start3A_490, %dma_start3A_491] : memref<1000000x32xf32, #tpu.memory_space<hbm>> -> memref<1000000x32xf32, #tpu.memory_space<hbm>>
        tpu.enqueue_indirect_dma source(%dma_start3A_492 : memref<1000000x32xf32, #tpu.memory_space<hbm>>) target(%dma_start3A_486 : memref<128x32xf32, #tpu.memory_space<vmem>>) offsets(%dma_start3A_489 : memref<128xi32, #tpu.memory_space<vmem>>) semaphore(%arg9 : memref<!tpu.dma_semaphore, #tpu.memory_space<semaphore_mem>>)
      } else {
      }
      %dma_wait3A_312 = arith.constant 4 : i32
      %dma_wait3A_313 = arith.constant 0 : i32
      %dma_wait3A_314 = arith.constant 0 : i32
      %dma_wait3A_315 = tpu.memref_slice %arg6[%dma_wait3A_312, %dma_wait3A_313, %dma_wait3A_314] : memref<8x128x32xf32, #tpu.memory_space<vmem>> -> memref<1x128x32xf32, #tpu.memory_space<vmem>>
      %dma_wait3A_316 = tpu.memref_squeeze %dma_wait3A_315 : memref<1x128x32xf32, #tpu.memory_space<vmem>> -> memref<128x32xf32, #tpu.memory_space<vmem>>
      %dma_wait3A_317 = arith.constant 0 : i32
      %dma_wait3A_318 = tpu.memref_slice %arg5[%add3A_295, %dma_wait3A_317] : memref<200x128xi32, #tpu.memory_space<vmem>> -> memref<1x128xi32, #tpu.memory_space<vmem>>
      %dma_wait3A_319 = tpu.memref_squeeze %dma_wait3A_318 : memref<1x128xi32, #tpu.memory_space<vmem>> -> memref<128xi32, #tpu.memory_space<vmem>>
      %dma_wait3A_320 = arith.constant 0 : i32
      %dma_wait3A_321 = arith.constant 0 : i32
      %dma_wait3A_322 = tpu.memref_slice %arg2[%dma_wait3A_320, %dma_wait3A_321] : memref<1000000x32xf32, #tpu.memory_space<hbm>> -> memref<1000000x32xf32, #tpu.memory_space<hbm>>
      tpu.wait_indirect_dma semaphore(%arg11 : memref<!tpu.dma_semaphore, #tpu.memory_space<semaphore_mem>>) src(%dma_wait3A_322 : memref<1000000x32xf32, #tpu.memory_space<hbm>>) dst(%dma_wait3A_316 : memref<128x32xf32, #tpu.memory_space<vmem>>)
      %mul3A_323 = arith.constant 128 : i32
      %mul3A_324 = arith.muli %add3A_295, %mul3A_323 : i32
      %add3A_325 = arith.addi %mul3A_2, %mul3A_324 : i32
      %dma_start3A_326 = arith.constant 4 : i32
      %dma_start3A_327 = arith.constant 0 : i32
      %dma_start3A_328 = arith.constant 0 : i32
      %dma_start3A_329 = tpu.memref_slice %arg6[%dma_start3A_326, %dma_start3A_327, %dma_start3A_328] : memref<8x128x32xf32, #tpu.memory_space<vmem>> -> memref<1x128x32xf32, #tpu.memory_space<vmem>>
      %dma_start3A_330 = tpu.memref_squeeze %dma_start3A_329 : memref<1x128x32xf32, #tpu.memory_space<vmem>> -> memref<128x32xf32, #tpu.memory_space<vmem>>
      %dma_start3A_331 = arith.constant 0 : i32
      %dma_start3A_332 = tpu.memref_slice %arg4[%add3A_325, %dma_start3A_331] : memref<819200x32xf32, #tpu.memory_space<hbm>> -> memref<128x32xf32, #tpu.memory_space<hbm>>
      %dma_start3A_333 = arith.constant 0 : i32
      %dma_start3A_334 = tpu.memref_slice %arg4[%add3A_325, %dma_start3A_333] : memref<819200x32xf32, #tpu.memory_space<hbm>> -> memref<128x32xf32, #tpu.memory_space<hbm>>
      %dma_start3A_335 = arith.constant 0 : i32
      %dma_start3A_336 = arith.constant 0 : i32
      %dma_start3A_337 = tpu.memref_slice %arg6[%dma_start3A_326, %dma_start3A_335, %dma_start3A_336] : memref<8x128x32xf32, #tpu.memory_space<vmem>> -> memref<1x128x32xf32, #tpu.memory_space<vmem>>
      %dma_start3A_338 = tpu.memref_squeeze %dma_start3A_337 : memref<1x128x32xf32, #tpu.memory_space<vmem>> -> memref<128x32xf32, #tpu.memory_space<vmem>>
      tpu.enqueue_dma source(%dma_start3A_338 : memref<128x32xf32, #tpu.memory_space<vmem>>) target(%dma_start3A_334 : memref<128x32xf32, #tpu.memory_space<hbm>>) target_semaphore(%arg19 : memref<!tpu.dma_semaphore, #tpu.memory_space<semaphore_mem>>)
      %mul3A_339 = arith.constant 8 : i32
      %mul3A_340 = arith.muli %scan3A_108, %mul3A_339 : i32
      %add3A_341 = arith.constant 5 : i32
      %add3A_342 = arith.addi %mul3A_340, %add3A_341 : i32
      %add3A_343 = arith.constant 6 : i32
      %add3A_344 = arith.addi %add3A_342, %add3A_343 : i32
      %sub3A_345 = arith.constant 8 : i32
      %sub3A_346 = arith.subi %add3A_344, %sub3A_345 : i32
      %ge3A_347 = arith.constant 0 : i32
      %ge3A_348 = arith.cmpi sge, %sub3A_346, %ge3A_347 : i32
      %convert_element_type3A_349 = arith.extui %ge3A_348 : i1 to i32
      %cond3A_350 = arith.constant 0 : i32
      %cond3A_351 = arith.cmpi ne, %convert_element_type3A_349, %cond3A_350 : i32
      scf.if %cond3A_351 {
        %add3A_480 = arith.constant 6 : i32
        %add3A_481 = arith.addi %add3A_342, %add3A_480 : i32
        %sub3A_482 = arith.constant 8 : i32
        %sub3A_483 = arith.subi %add3A_481, %sub3A_482 : i32
        %mul3A_484 = arith.constant 128 : i32
        %mul3A_485 = arith.muli %sub3A_483, %mul3A_484 : i32
        %add3A_486 = arith.addi %mul3A_2, %mul3A_485 : i32
        %dma_wait3A_487 = arith.constant 3 : i32
        %dma_wait3A_488 = arith.constant 0 : i32
        %dma_wait3A_489 = arith.constant 0 : i32
        %dma_wait3A_490 = tpu.memref_slice %arg6[%dma_wait3A_487, %dma_wait3A_488, %dma_wait3A_489] : memref<8x128x32xf32, #tpu.memory_space<vmem>> -> memref<1x128x32xf32, #tpu.memory_space<vmem>>
        %dma_wait3A_491 = tpu.memref_squeeze %dma_wait3A_490 : memref<1x128x32xf32, #tpu.memory_space<vmem>> -> memref<128x32xf32, #tpu.memory_space<vmem>>
        %dma_wait3A_492 = arith.constant 0 : i32
        %dma_wait3A_493 = tpu.memref_slice %arg4[%add3A_486, %dma_wait3A_492] : memref<819200x32xf32, #tpu.memory_space<hbm>> -> memref<128x32xf32, #tpu.memory_space<hbm>>
        %dma_wait3A_494 = arith.constant 0 : i32
        %dma_wait3A_495 = tpu.memref_slice %arg4[%add3A_486, %dma_wait3A_494] : memref<819200x32xf32, #tpu.memory_space<hbm>> -> memref<128x32xf32, #tpu.memory_space<hbm>>
        %dma_wait3A_496 = arith.constant 0 : i32
        %dma_wait3A_497 = arith.constant 0 : i32
        %dma_wait3A_498 = tpu.memref_slice %arg6[%dma_wait3A_487, %dma_wait3A_496, %dma_wait3A_497] : memref<8x128x32xf32, #tpu.memory_space<vmem>> -> memref<1x128x32xf32, #tpu.memory_space<vmem>>
        %dma_wait3A_499 = tpu.memref_squeeze %dma_wait3A_498 : memref<1x128x32xf32, #tpu.memory_space<vmem>> -> memref<128x32xf32, #tpu.memory_space<vmem>>
        tpu.wait_dma2 semaphore(%arg18 : memref<!tpu.dma_semaphore, #tpu.memory_space<semaphore_mem>>) src(%dma_wait3A_499 : memref<128x32xf32, #tpu.memory_space<vmem>>) dst(%dma_wait3A_495 : memref<128x32xf32, #tpu.memory_space<hbm>>)
      } else {
      }
      %add3A_352 = arith.constant 6 : i32
      %add3A_353 = arith.addi %add3A_342, %add3A_352 : i32
      %lt3A_354 = arith.constant 200 : i32
      %lt3A_355 = arith.cmpi slt, %add3A_353, %lt3A_354 : i32
      %convert_element_type3A_356 = arith.extui %lt3A_355 : i1 to i32
      %cond3A_357 = arith.constant 0 : i32
      %cond3A_358 = arith.cmpi ne, %convert_element_type3A_356, %cond3A_357 : i32
      scf.if %cond3A_358 {
        %add3A_480 = arith.constant 6 : i32
        %add3A_481 = arith.addi %add3A_342, %add3A_480 : i32
        %dma_start3A_482 = arith.constant 3 : i32
        %dma_start3A_483 = arith.constant 0 : i32
        %dma_start3A_484 = arith.constant 0 : i32
        %dma_start3A_485 = tpu.memref_slice %arg6[%dma_start3A_482, %dma_start3A_483, %dma_start3A_484] : memref<8x128x32xf32, #tpu.memory_space<vmem>> -> memref<1x128x32xf32, #tpu.memory_space<vmem>>
        %dma_start3A_486 = tpu.memref_squeeze %dma_start3A_485 : memref<1x128x32xf32, #tpu.memory_space<vmem>> -> memref<128x32xf32, #tpu.memory_space<vmem>>
        %dma_start3A_487 = arith.constant 0 : i32
        %dma_start3A_488 = tpu.memref_slice %arg5[%add3A_481, %dma_start3A_487] : memref<200x128xi32, #tpu.memory_space<vmem>> -> memref<1x128xi32, #tpu.memory_space<vmem>>
        %dma_start3A_489 = tpu.memref_squeeze %dma_start3A_488 : memref<1x128xi32, #tpu.memory_space<vmem>> -> memref<128xi32, #tpu.memory_space<vmem>>
        %dma_start3A_490 = arith.constant 0 : i32
        %dma_start3A_491 = arith.constant 0 : i32
        %dma_start3A_492 = tpu.memref_slice %arg2[%dma_start3A_490, %dma_start3A_491] : memref<1000000x32xf32, #tpu.memory_space<hbm>> -> memref<1000000x32xf32, #tpu.memory_space<hbm>>
        tpu.enqueue_indirect_dma source(%dma_start3A_492 : memref<1000000x32xf32, #tpu.memory_space<hbm>>) target(%dma_start3A_486 : memref<128x32xf32, #tpu.memory_space<vmem>>) offsets(%dma_start3A_489 : memref<128xi32, #tpu.memory_space<vmem>>) semaphore(%arg10 : memref<!tpu.dma_semaphore, #tpu.memory_space<semaphore_mem>>)
      } else {
      }
      %dma_wait3A_359 = arith.constant 5 : i32
      %dma_wait3A_360 = arith.constant 0 : i32
      %dma_wait3A_361 = arith.constant 0 : i32
      %dma_wait3A_362 = tpu.memref_slice %arg6[%dma_wait3A_359, %dma_wait3A_360, %dma_wait3A_361] : memref<8x128x32xf32, #tpu.memory_space<vmem>> -> memref<1x128x32xf32, #tpu.memory_space<vmem>>
      %dma_wait3A_363 = tpu.memref_squeeze %dma_wait3A_362 : memref<1x128x32xf32, #tpu.memory_space<vmem>> -> memref<128x32xf32, #tpu.memory_space<vmem>>
      %dma_wait3A_364 = arith.constant 0 : i32
      %dma_wait3A_365 = tpu.memref_slice %arg5[%add3A_342, %dma_wait3A_364] : memref<200x128xi32, #tpu.memory_space<vmem>> -> memref<1x128xi32, #tpu.memory_space<vmem>>
      %dma_wait3A_366 = tpu.memref_squeeze %dma_wait3A_365 : memref<1x128xi32, #tpu.memory_space<vmem>> -> memref<128xi32, #tpu.memory_space<vmem>>
      %dma_wait3A_367 = arith.constant 0 : i32
      %dma_wait3A_368 = arith.constant 0 : i32
      %dma_wait3A_369 = tpu.memref_slice %arg2[%dma_wait3A_367, %dma_wait3A_368] : memref<1000000x32xf32, #tpu.memory_space<hbm>> -> memref<1000000x32xf32, #tpu.memory_space<hbm>>
      tpu.wait_indirect_dma semaphore(%arg12 : memref<!tpu.dma_semaphore, #tpu.memory_space<semaphore_mem>>) src(%dma_wait3A_369 : memref<1000000x32xf32, #tpu.memory_space<hbm>>) dst(%dma_wait3A_363 : memref<128x32xf32, #tpu.memory_space<vmem>>)
      %mul3A_370 = arith.constant 128 : i32
      %mul3A_371 = arith.muli %add3A_342, %mul3A_370 : i32
      %add3A_372 = arith.addi %mul3A_2, %mul3A_371 : i32
      %dma_start3A_373 = arith.constant 5 : i32
      %dma_start3A_374 = arith.constant 0 : i32
      %dma_start3A_375 = arith.constant 0 : i32
      %dma_start3A_376 = tpu.memref_slice %arg6[%dma_start3A_373, %dma_start3A_374, %dma_start3A_375] : memref<8x128x32xf32, #tpu.memory_space<vmem>> -> memref<1x128x32xf32, #tpu.memory_space<vmem>>
      %dma_start3A_377 = tpu.memref_squeeze %dma_start3A_376 : memref<1x128x32xf32, #tpu.memory_space<vmem>> -> memref<128x32xf32, #tpu.memory_space<vmem>>
      %dma_start3A_378 = arith.constant 0 : i32
      %dma_start3A_379 = tpu.memref_slice %arg4[%add3A_372, %dma_start3A_378] : memref<819200x32xf32, #tpu.memory_space<hbm>> -> memref<128x32xf32, #tpu.memory_space<hbm>>
      %dma_start3A_380 = arith.constant 0 : i32
      %dma_start3A_381 = tpu.memref_slice %arg4[%add3A_372, %dma_start3A_380] : memref<819200x32xf32, #tpu.memory_space<hbm>> -> memref<128x32xf32, #tpu.memory_space<hbm>>
      %dma_start3A_382 = arith.constant 0 : i32
      %dma_start3A_383 = arith.constant 0 : i32
      %dma_start3A_384 = tpu.memref_slice %arg6[%dma_start3A_373, %dma_start3A_382, %dma_start3A_383] : memref<8x128x32xf32, #tpu.memory_space<vmem>> -> memref<1x128x32xf32, #tpu.memory_space<vmem>>
      %dma_start3A_385 = tpu.memref_squeeze %dma_start3A_384 : memref<1x128x32xf32, #tpu.memory_space<vmem>> -> memref<128x32xf32, #tpu.memory_space<vmem>>
      tpu.enqueue_dma source(%dma_start3A_385 : memref<128x32xf32, #tpu.memory_space<vmem>>) target(%dma_start3A_381 : memref<128x32xf32, #tpu.memory_space<hbm>>) target_semaphore(%arg20 : memref<!tpu.dma_semaphore, #tpu.memory_space<semaphore_mem>>)
      %mul3A_386 = arith.constant 8 : i32
      %mul3A_387 = arith.muli %scan3A_108, %mul3A_386 : i32
      %add3A_388 = arith.constant 6 : i32
      %add3A_389 = arith.addi %mul3A_387, %add3A_388 : i32
      %add3A_390 = arith.constant 6 : i32
      %add3A_391 = arith.addi %add3A_389, %add3A_390 : i32
      %sub3A_392 = arith.constant 8 : i32
      %sub3A_393 = arith.subi %add3A_391, %sub3A_392 : i32
      %ge3A_394 = arith.constant 0 : i32
      %ge3A_395 = arith.cmpi sge, %sub3A_393, %ge3A_394 : i32
      %convert_element_type3A_396 = arith.extui %ge3A_395 : i1 to i32
      %cond3A_397 = arith.constant 0 : i32
      %cond3A_398 = arith.cmpi ne, %convert_element_type3A_396, %cond3A_397 : i32
      scf.if %cond3A_398 {
        %add3A_480 = arith.constant 6 : i32
        %add3A_481 = arith.addi %add3A_389, %add3A_480 : i32
        %sub3A_482 = arith.constant 8 : i32
        %sub3A_483 = arith.subi %add3A_481, %sub3A_482 : i32
        %mul3A_484 = arith.constant 128 : i32
        %mul3A_485 = arith.muli %sub3A_483, %mul3A_484 : i32
        %add3A_486 = arith.addi %mul3A_2, %mul3A_485 : i32
        %dma_wait3A_487 = arith.constant 4 : i32
        %dma_wait3A_488 = arith.constant 0 : i32
        %dma_wait3A_489 = arith.constant 0 : i32
        %dma_wait3A_490 = tpu.memref_slice %arg6[%dma_wait3A_487, %dma_wait3A_488, %dma_wait3A_489] : memref<8x128x32xf32, #tpu.memory_space<vmem>> -> memref<1x128x32xf32, #tpu.memory_space<vmem>>
        %dma_wait3A_491 = tpu.memref_squeeze %dma_wait3A_490 : memref<1x128x32xf32, #tpu.memory_space<vmem>> -> memref<128x32xf32, #tpu.memory_space<vmem>>
        %dma_wait3A_492 = arith.constant 0 : i32
        %dma_wait3A_493 = tpu.memref_slice %arg4[%add3A_486, %dma_wait3A_492] : memref<819200x32xf32, #tpu.memory_space<hbm>> -> memref<128x32xf32, #tpu.memory_space<hbm>>
        %dma_wait3A_494 = arith.constant 0 : i32
        %dma_wait3A_495 = tpu.memref_slice %arg4[%add3A_486, %dma_wait3A_494] : memref<819200x32xf32, #tpu.memory_space<hbm>> -> memref<128x32xf32, #tpu.memory_space<hbm>>
        %dma_wait3A_496 = arith.constant 0 : i32
        %dma_wait3A_497 = arith.constant 0 : i32
        %dma_wait3A_498 = tpu.memref_slice %arg6[%dma_wait3A_487, %dma_wait3A_496, %dma_wait3A_497] : memref<8x128x32xf32, #tpu.memory_space<vmem>> -> memref<1x128x32xf32, #tpu.memory_space<vmem>>
        %dma_wait3A_499 = tpu.memref_squeeze %dma_wait3A_498 : memref<1x128x32xf32, #tpu.memory_space<vmem>> -> memref<128x32xf32, #tpu.memory_space<vmem>>
        tpu.wait_dma2 semaphore(%arg19 : memref<!tpu.dma_semaphore, #tpu.memory_space<semaphore_mem>>) src(%dma_wait3A_499 : memref<128x32xf32, #tpu.memory_space<vmem>>) dst(%dma_wait3A_495 : memref<128x32xf32, #tpu.memory_space<hbm>>)
      } else {
      }
      %add3A_399 = arith.constant 6 : i32
      %add3A_400 = arith.addi %add3A_389, %add3A_399 : i32
      %lt3A_401 = arith.constant 200 : i32
      %lt3A_402 = arith.cmpi slt, %add3A_400, %lt3A_401 : i32
      %convert_element_type3A_403 = arith.extui %lt3A_402 : i1 to i32
      %cond3A_404 = arith.constant 0 : i32
      %cond3A_405 = arith.cmpi ne, %convert_element_type3A_403, %cond3A_404 : i32
      scf.if %cond3A_405 {
        %add3A_480 = arith.constant 6 : i32
        %add3A_481 = arith.addi %add3A_389, %add3A_480 : i32
        %dma_start3A_482 = arith.constant 4 : i32
        %dma_start3A_483 = arith.constant 0 : i32
        %dma_start3A_484 = arith.constant 0 : i32
        %dma_start3A_485 = tpu.memref_slice %arg6[%dma_start3A_482, %dma_start3A_483, %dma_start3A_484] : memref<8x128x32xf32, #tpu.memory_space<vmem>> -> memref<1x128x32xf32, #tpu.memory_space<vmem>>
        %dma_start3A_486 = tpu.memref_squeeze %dma_start3A_485 : memref<1x128x32xf32, #tpu.memory_space<vmem>> -> memref<128x32xf32, #tpu.memory_space<vmem>>
        %dma_start3A_487 = arith.constant 0 : i32
        %dma_start3A_488 = tpu.memref_slice %arg5[%add3A_481, %dma_start3A_487] : memref<200x128xi32, #tpu.memory_space<vmem>> -> memref<1x128xi32, #tpu.memory_space<vmem>>
        %dma_start3A_489 = tpu.memref_squeeze %dma_start3A_488 : memref<1x128xi32, #tpu.memory_space<vmem>> -> memref<128xi32, #tpu.memory_space<vmem>>
        %dma_start3A_490 = arith.constant 0 : i32
        %dma_start3A_491 = arith.constant 0 : i32
        %dma_start3A_492 = tpu.memref_slice %arg2[%dma_start3A_490, %dma_start3A_491] : memref<1000000x32xf32, #tpu.memory_space<hbm>> -> memref<1000000x32xf32, #tpu.memory_space<hbm>>
        tpu.enqueue_indirect_dma source(%dma_start3A_492 : memref<1000000x32xf32, #tpu.memory_space<hbm>>) target(%dma_start3A_486 : memref<128x32xf32, #tpu.memory_space<vmem>>) offsets(%dma_start3A_489 : memref<128xi32, #tpu.memory_space<vmem>>) semaphore(%arg11 : memref<!tpu.dma_semaphore, #tpu.memory_space<semaphore_mem>>)
      } else {
      }
      %dma_wait3A_406 = arith.constant 6 : i32
      %dma_wait3A_407 = arith.constant 0 : i32
      %dma_wait3A_408 = arith.constant 0 : i32
      %dma_wait3A_409 = tpu.memref_slice %arg6[%dma_wait3A_406, %dma_wait3A_407, %dma_wait3A_408] : memref<8x128x32xf32, #tpu.memory_space<vmem>> -> memref<1x128x32xf32, #tpu.memory_space<vmem>>
      %dma_wait3A_410 = tpu.memref_squeeze %dma_wait3A_409 : memref<1x128x32xf32, #tpu.memory_space<vmem>> -> memref<128x32xf32, #tpu.memory_space<vmem>>
      %dma_wait3A_411 = arith.constant 0 : i32
      %dma_wait3A_412 = tpu.memref_slice %arg5[%add3A_389, %dma_wait3A_411] : memref<200x128xi32, #tpu.memory_space<vmem>> -> memref<1x128xi32, #tpu.memory_space<vmem>>
      %dma_wait3A_413 = tpu.memref_squeeze %dma_wait3A_412 : memref<1x128xi32, #tpu.memory_space<vmem>> -> memref<128xi32, #tpu.memory_space<vmem>>
      %dma_wait3A_414 = arith.constant 0 : i32
      %dma_wait3A_415 = arith.constant 0 : i32
      %dma_wait3A_416 = tpu.memref_slice %arg2[%dma_wait3A_414, %dma_wait3A_415] : memref<1000000x32xf32, #tpu.memory_space<hbm>> -> memref<1000000x32xf32, #tpu.memory_space<hbm>>
      tpu.wait_indirect_dma semaphore(%arg13 : memref<!tpu.dma_semaphore, #tpu.memory_space<semaphore_mem>>) src(%dma_wait3A_416 : memref<1000000x32xf32, #tpu.memory_space<hbm>>) dst(%dma_wait3A_410 : memref<128x32xf32, #tpu.memory_space<vmem>>)
      %mul3A_417 = arith.constant 128 : i32
      %mul3A_418 = arith.muli %add3A_389, %mul3A_417 : i32
      %add3A_419 = arith.addi %mul3A_2, %mul3A_418 : i32
      %dma_start3A_420 = arith.constant 6 : i32
      %dma_start3A_421 = arith.constant 0 : i32
      %dma_start3A_422 = arith.constant 0 : i32
      %dma_start3A_423 = tpu.memref_slice %arg6[%dma_start3A_420, %dma_start3A_421, %dma_start3A_422] : memref<8x128x32xf32, #tpu.memory_space<vmem>> -> memref<1x128x32xf32, #tpu.memory_space<vmem>>
      %dma_start3A_424 = tpu.memref_squeeze %dma_start3A_423 : memref<1x128x32xf32, #tpu.memory_space<vmem>> -> memref<128x32xf32, #tpu.memory_space<vmem>>
      %dma_start3A_425 = arith.constant 0 : i32
      %dma_start3A_426 = tpu.memref_slice %arg4[%add3A_419, %dma_start3A_425] : memref<819200x32xf32, #tpu.memory_space<hbm>> -> memref<128x32xf32, #tpu.memory_space<hbm>>
      %dma_start3A_427 = arith.constant 0 : i32
      %dma_start3A_428 = tpu.memref_slice %arg4[%add3A_419, %dma_start3A_427] : memref<819200x32xf32, #tpu.memory_space<hbm>> -> memref<128x32xf32, #tpu.memory_space<hbm>>
      %dma_start3A_429 = arith.constant 0 : i32
      %dma_start3A_430 = arith.constant 0 : i32
      %dma_start3A_431 = tpu.memref_slice %arg6[%dma_start3A_420, %dma_start3A_429, %dma_start3A_430] : memref<8x128x32xf32, #tpu.memory_space<vmem>> -> memref<1x128x32xf32, #tpu.memory_space<vmem>>
      %dma_start3A_432 = tpu.memref_squeeze %dma_start3A_431 : memref<1x128x32xf32, #tpu.memory_space<vmem>> -> memref<128x32xf32, #tpu.memory_space<vmem>>
      tpu.enqueue_dma source(%dma_start3A_432 : memref<128x32xf32, #tpu.memory_space<vmem>>) target(%dma_start3A_428 : memref<128x32xf32, #tpu.memory_space<hbm>>) target_semaphore(%arg21 : memref<!tpu.dma_semaphore, #tpu.memory_space<semaphore_mem>>)
      %mul3A_433 = arith.constant 8 : i32
      %mul3A_434 = arith.muli %scan3A_108, %mul3A_433 : i32
      %add3A_435 = arith.constant 7 : i32
      %add3A_436 = arith.addi %mul3A_434, %add3A_435 : i32
      %add3A_437 = arith.constant 6 : i32
      %add3A_438 = arith.addi %add3A_436, %add3A_437 : i32
      %sub3A_439 = arith.constant 8 : i32
      %sub3A_440 = arith.subi %add3A_438, %sub3A_439 : i32
      %ge3A_441 = arith.constant 0 : i32
      %ge3A_442 = arith.cmpi sge, %sub3A_440, %ge3A_441 : i32
      %convert_element_type3A_443 = arith.extui %ge3A_442 : i1 to i32
      %cond3A_444 = arith.constant 0 : i32
      %cond3A_445 = arith.cmpi ne, %convert_element_type3A_443, %cond3A_444 : i32
      scf.if %cond3A_445 {
        %add3A_480 = arith.constant 6 : i32
        %add3A_481 = arith.addi %add3A_436, %add3A_480 : i32
        %sub3A_482 = arith.constant 8 : i32
        %sub3A_483 = arith.subi %add3A_481, %sub3A_482 : i32
        %mul3A_484 = arith.constant 128 : i32
        %mul3A_485 = arith.muli %sub3A_483, %mul3A_484 : i32
        %add3A_486 = arith.addi %mul3A_2, %mul3A_485 : i32
        %dma_wait3A_487 = arith.constant 5 : i32
        %dma_wait3A_488 = arith.constant 0 : i32
        %dma_wait3A_489 = arith.constant 0 : i32
        %dma_wait3A_490 = tpu.memref_slice %arg6[%dma_wait3A_487, %dma_wait3A_488, %dma_wait3A_489] : memref<8x128x32xf32, #tpu.memory_space<vmem>> -> memref<1x128x32xf32, #tpu.memory_space<vmem>>
        %dma_wait3A_491 = tpu.memref_squeeze %dma_wait3A_490 : memref<1x128x32xf32, #tpu.memory_space<vmem>> -> memref<128x32xf32, #tpu.memory_space<vmem>>
        %dma_wait3A_492 = arith.constant 0 : i32
        %dma_wait3A_493 = tpu.memref_slice %arg4[%add3A_486, %dma_wait3A_492] : memref<819200x32xf32, #tpu.memory_space<hbm>> -> memref<128x32xf32, #tpu.memory_space<hbm>>
        %dma_wait3A_494 = arith.constant 0 : i32
        %dma_wait3A_495 = tpu.memref_slice %arg4[%add3A_486, %dma_wait3A_494] : memref<819200x32xf32, #tpu.memory_space<hbm>> -> memref<128x32xf32, #tpu.memory_space<hbm>>
        %dma_wait3A_496 = arith.constant 0 : i32
        %dma_wait3A_497 = arith.constant 0 : i32
        %dma_wait3A_498 = tpu.memref_slice %arg6[%dma_wait3A_487, %dma_wait3A_496, %dma_wait3A_497] : memref<8x128x32xf32, #tpu.memory_space<vmem>> -> memref<1x128x32xf32, #tpu.memory_space<vmem>>
        %dma_wait3A_499 = tpu.memref_squeeze %dma_wait3A_498 : memref<1x128x32xf32, #tpu.memory_space<vmem>> -> memref<128x32xf32, #tpu.memory_space<vmem>>
        tpu.wait_dma2 semaphore(%arg20 : memref<!tpu.dma_semaphore, #tpu.memory_space<semaphore_mem>>) src(%dma_wait3A_499 : memref<128x32xf32, #tpu.memory_space<vmem>>) dst(%dma_wait3A_495 : memref<128x32xf32, #tpu.memory_space<hbm>>)
      } else {
      }
      %add3A_446 = arith.constant 6 : i32
      %add3A_447 = arith.addi %add3A_436, %add3A_446 : i32
      %lt3A_448 = arith.constant 200 : i32
      %lt3A_449 = arith.cmpi slt, %add3A_447, %lt3A_448 : i32
      %convert_element_type3A_450 = arith.extui %lt3A_449 : i1 to i32
      %cond3A_451 = arith.constant 0 : i32
      %cond3A_452 = arith.cmpi ne, %convert_element_type3A_450, %cond3A_451 : i32
      scf.if %cond3A_452 {
        %add3A_480 = arith.constant 6 : i32
        %add3A_481 = arith.addi %add3A_436, %add3A_480 : i32
        %dma_start3A_482 = arith.constant 5 : i32
        %dma_start3A_483 = arith.constant 0 : i32
        %dma_start3A_484 = arith.constant 0 : i32
        %dma_start3A_485 = tpu.memref_slice %arg6[%dma_start3A_482, %dma_start3A_483, %dma_start3A_484] : memref<8x128x32xf32, #tpu.memory_space<vmem>> -> memref<1x128x32xf32, #tpu.memory_space<vmem>>
        %dma_start3A_486 = tpu.memref_squeeze %dma_start3A_485 : memref<1x128x32xf32, #tpu.memory_space<vmem>> -> memref<128x32xf32, #tpu.memory_space<vmem>>
        %dma_start3A_487 = arith.constant 0 : i32
        %dma_start3A_488 = tpu.memref_slice %arg5[%add3A_481, %dma_start3A_487] : memref<200x128xi32, #tpu.memory_space<vmem>> -> memref<1x128xi32, #tpu.memory_space<vmem>>
        %dma_start3A_489 = tpu.memref_squeeze %dma_start3A_488 : memref<1x128xi32, #tpu.memory_space<vmem>> -> memref<128xi32, #tpu.memory_space<vmem>>
        %dma_start3A_490 = arith.constant 0 : i32
        %dma_start3A_491 = arith.constant 0 : i32
        %dma_start3A_492 = tpu.memref_slice %arg2[%dma_start3A_490, %dma_start3A_491] : memref<1000000x32xf32, #tpu.memory_space<hbm>> -> memref<1000000x32xf32, #tpu.memory_space<hbm>>
        tpu.enqueue_indirect_dma source(%dma_start3A_492 : memref<1000000x32xf32, #tpu.memory_space<hbm>>) target(%dma_start3A_486 : memref<128x32xf32, #tpu.memory_space<vmem>>) offsets(%dma_start3A_489 : memref<128xi32, #tpu.memory_space<vmem>>) semaphore(%arg12 : memref<!tpu.dma_semaphore, #tpu.memory_space<semaphore_mem>>)
      } else {
      }
      %dma_wait3A_453 = arith.constant 7 : i32
      %dma_wait3A_454 = arith.constant 0 : i32
      %dma_wait3A_455 = arith.constant 0 : i32
      %dma_wait3A_456 = tpu.memref_slice %arg6[%dma_wait3A_453, %dma_wait3A_454, %dma_wait3A_455] : memref<8x128x32xf32, #tpu.memory_space<vmem>> -> memref<1x128x32xf32, #tpu.memory_space<vmem>>
      %dma_wait3A_457 = tpu.memref_squeeze %dma_wait3A_456 : memref<1x128x32xf32, #tpu.memory_space<vmem>> -> memref<128x32xf32, #tpu.memory_space<vmem>>
      %dma_wait3A_458 = arith.constant 0 : i32
      %dma_wait3A_459 = tpu.memref_slice %arg5[%add3A_436, %dma_wait3A_458] : memref<200x128xi32, #tpu.memory_space<vmem>> -> memref<1x128xi32, #tpu.memory_space<vmem>>
      %dma_wait3A_460 = tpu.memref_squeeze %dma_wait3A_459 : memref<1x128xi32, #tpu.memory_space<vmem>> -> memref<128xi32, #tpu.memory_space<vmem>>
      %dma_wait3A_461 = arith.constant 0 : i32
      %dma_wait3A_462 = arith.constant 0 : i32
      %dma_wait3A_463 = tpu.memref_slice %arg2[%dma_wait3A_461, %dma_wait3A_462] : memref<1000000x32xf32, #tpu.memory_space<hbm>> -> memref<1000000x32xf32, #tpu.memory_space<hbm>>
      tpu.wait_indirect_dma semaphore(%arg14 : memref<!tpu.dma_semaphore, #tpu.memory_space<semaphore_mem>>) src(%dma_wait3A_463 : memref<1000000x32xf32, #tpu.memory_space<hbm>>) dst(%dma_wait3A_457 : memref<128x32xf32, #tpu.memory_space<vmem>>)
      %mul3A_464 = arith.constant 128 : i32
      %mul3A_465 = arith.muli %add3A_436, %mul3A_464 : i32
      %add3A_466 = arith.addi %mul3A_2, %mul3A_465 : i32
      %dma_start3A_467 = arith.constant 7 : i32
      %dma_start3A_468 = arith.constant 0 : i32
      %dma_start3A_469 = arith.constant 0 : i32
      %dma_start3A_470 = tpu.memref_slice %arg6[%dma_start3A_467, %dma_start3A_468, %dma_start3A_469] : memref<8x128x32xf32, #tpu.memory_space<vmem>> -> memref<1x128x32xf32, #tpu.memory_space<vmem>>
      %dma_start3A_471 = tpu.memref_squeeze %dma_start3A_470 : memref<1x128x32xf32, #tpu.memory_space<vmem>> -> memref<128x32xf32, #tpu.memory_space<vmem>>
      %dma_start3A_472 = arith.constant 0 : i32
      %dma_start3A_473 = tpu.memref_slice %arg4[%add3A_466, %dma_start3A_472] : memref<819200x32xf32, #tpu.memory_space<hbm>> -> memref<128x32xf32, #tpu.memory_space<hbm>>
      %dma_start3A_474 = arith.constant 0 : i32
      %dma_start3A_475 = tpu.memref_slice %arg4[%add3A_466, %dma_start3A_474] : memref<819200x32xf32, #tpu.memory_space<hbm>> -> memref<128x32xf32, #tpu.memory_space<hbm>>
      %dma_start3A_476 = arith.constant 0 : i32
      %dma_start3A_477 = arith.constant 0 : i32
      %dma_start3A_478 = tpu.memref_slice %arg6[%dma_start3A_467, %dma_start3A_476, %dma_start3A_477] : memref<8x128x32xf32, #tpu.memory_space<vmem>> -> memref<1x128x32xf32, #tpu.memory_space<vmem>>
      %dma_start3A_479 = tpu.memref_squeeze %dma_start3A_478 : memref<1x128x32xf32, #tpu.memory_space<vmem>> -> memref<128x32xf32, #tpu.memory_space<vmem>>
      tpu.enqueue_dma source(%dma_start3A_479 : memref<128x32xf32, #tpu.memory_space<vmem>>) target(%dma_start3A_475 : memref<128x32xf32, #tpu.memory_space<hbm>>) target_semaphore(%arg22 : memref<!tpu.dma_semaphore, #tpu.memory_space<semaphore_mem>>)
    }
    %scan3A_78 = arith.constant 25 : i32
    %add3A_79 = arith.constant 25344 : i32
    %add3A_80 = arith.addi %mul3A_2, %add3A_79 : i32
    %dma_wait3A = arith.constant 6 : i32
    %dma_wait3A_81 = arith.constant 0 : i32
    %dma_wait3A_82 = arith.constant 0 : i32
    %dma_wait3A_83 = tpu.memref_slice %arg6[%dma_wait3A, %dma_wait3A_81, %dma_wait3A_82] : memref<8x128x32xf32, #tpu.memory_space<vmem>> -> memref<1x128x32xf32, #tpu.memory_space<vmem>>
    %dma_wait3A_84 = tpu.memref_squeeze %dma_wait3A_83 : memref<1x128x32xf32, #tpu.memory_space<vmem>> -> memref<128x32xf32, #tpu.memory_space<vmem>>
    %dma_wait3A_85 = arith.constant 0 : i32
    %dma_wait3A_86 = tpu.memref_slice %arg4[%add3A_80, %dma_wait3A_85] : memref<819200x32xf32, #tpu.memory_space<hbm>> -> memref<128x32xf32, #tpu.memory_space<hbm>>
    %dma_wait3A_87 = arith.constant 0 : i32
    %dma_wait3A_88 = tpu.memref_slice %arg4[%add3A_80, %dma_wait3A_87] : memref<819200x32xf32, #tpu.memory_space<hbm>> -> memref<128x32xf32, #tpu.memory_space<hbm>>
    %dma_wait3A_89 = arith.constant 0 : i32
    %dma_wait3A_90 = arith.constant 0 : i32
    %dma_wait3A_91 = tpu.memref_slice %arg6[%dma_wait3A, %dma_wait3A_89, %dma_wait3A_90] : memref<8x128x32xf32, #tpu.memory_space<vmem>> -> memref<1x128x32xf32, #tpu.memory_space<vmem>>
    %dma_wait3A_92 = tpu.memref_squeeze %dma_wait3A_91 : memref<1x128x32xf32, #tpu.memory_space<vmem>> -> memref<128x32xf32, #tpu.memory_space<vmem>>
    tpu.wait_dma2 semaphore(%arg21 : memref<!tpu.dma_semaphore, #tpu.memory_space<semaphore_mem>>) src(%dma_wait3A_92 : memref<128x32xf32, #tpu.memory_space<vmem>>) dst(%dma_wait3A_88 : memref<128x32xf32, #tpu.memory_space<hbm>>)
    %add3A_93 = arith.constant 25472 : i32
    %add3A_94 = arith.addi %mul3A_2, %add3A_93 : i32
    %dma_wait3A_95 = arith.constant 7 : i32
    %dma_wait3A_96 = arith.constant 0 : i32
    %dma_wait3A_97 = arith.constant 0 : i32
    %dma_wait3A_98 = tpu.memref_slice %arg6[%dma_wait3A_95, %dma_wait3A_96, %dma_wait3A_97] : memref<8x128x32xf32, #tpu.memory_space<vmem>> -> memref<1x128x32xf32, #tpu.memory_space<vmem>>
    %dma_wait3A_99 = tpu.memref_squeeze %dma_wait3A_98 : memref<1x128x32xf32, #tpu.memory_space<vmem>> -> memref<128x32xf32, #tpu.memory_space<vmem>>
    %dma_wait3A_100 = arith.constant 0 : i32
    %dma_wait3A_101 = tpu.memref_slice %arg4[%add3A_94, %dma_wait3A_100] : memref<819200x32xf32, #tpu.memory_space<hbm>> -> memref<128x32xf32, #tpu.memory_space<hbm>>
    %dma_wait3A_102 = arith.constant 0 : i32
    %dma_wait3A_103 = tpu.memref_slice %arg4[%add3A_94, %dma_wait3A_102] : memref<819200x32xf32, #tpu.memory_space<hbm>> -> memref<128x32xf32, #tpu.memory_space<hbm>>
    %dma_wait3A_104 = arith.constant 0 : i32
    %dma_wait3A_105 = arith.constant 0 : i32
    %dma_wait3A_106 = tpu.memref_slice %arg6[%dma_wait3A_95, %dma_wait3A_104, %dma_wait3A_105] : memref<8x128x32xf32, #tpu.memory_space<vmem>> -> memref<1x128x32xf32, #tpu.memory_space<vmem>>
    %dma_wait3A_107 = tpu.memref_squeeze %dma_wait3A_106 : memref<1x128x32xf32, #tpu.memory_space<vmem>> -> memref<128x32xf32, #tpu.memory_space<vmem>>
    tpu.wait_dma2 semaphore(%arg22 : memref<!tpu.dma_semaphore, #tpu.memory_space<semaphore_mem>>) src(%dma_wait3A_107 : memref<128x32xf32, #tpu.memory_space<vmem>>) dst(%dma_wait3A_103 : memref<128x32xf32, #tpu.memory_space<hbm>>)
    return
  }
}

module attributes {stable_mosaic.version = 14 : i64} {
  func.func @body(%arg0: i32, %arg1: memref<12800x128xf32, #tpu.memory_space<vmem>>, %arg2: memref<6400x256xf32, #tpu.memory_space<vmem>>) attributes {dimension_semantics = [#tpu.dimension_semantics<arbitrary>], iteration_bounds = array<i64: 16>, scalar_prefetch = 0 : i64, scratch_operands = 0 : i64, tpu.core_type = #tpu.core_type<tc>, window_params = [{transform_indices = @transform_0, window_bounds = array<i64: 12800, 128>}, {transform_indices = @transform_1, window_bounds = array<i64: 6400, 256>}]} {
    %get3A = arith.constant 0 : index
    %get3A_0 = arith.constant 0 : index
    %get3A_1 = vector.load %arg1[%get3A, %get3A_0] : memref<12800x128xf32, #tpu.memory_space<vmem>>, vector<12800x128xf32>
    %reshape3A = vector.shape_cast %get3A_1 : vector<12800x128xf32> to vector<256x50x128xf32>
    %slice3A = vector.extract_strided_slice %reshape3A {offsets = [0, 0, 0], sizes = [256, 1, 128], strides = [1, 1, 1]} : vector<256x50x128xf32> to vector<256x1x128xf32>
    %squeeze3A = vector.shape_cast %slice3A : vector<256x1x128xf32> to vector<256x128xf32>
    %transpose3A = tpu.transpose %squeeze3A, [1, 0] : vector<256x128xf32> -> vector<128x256xf32>
    %swap3A = arith.constant 0 : index
    %swap3A_2 = arith.constant 0 : index
    %swap3A_3 = vector.load %arg2[%swap3A, %swap3A_2] : memref<6400x256xf32, #tpu.memory_space<vmem>>, vector<128x256xf32>
    tpu.vector_store %arg2[%swap3A, %swap3A_2], %transpose3A {strides = array<i32>} : memref<6400x256xf32, #tpu.memory_space<vmem>>, vector<128x256xf32>,
    %slice3A_4 = vector.extract_strided_slice %reshape3A {offsets = [0, 1, 0], sizes = [256, 1, 128], strides = [1, 1, 1]} : vector<256x50x128xf32> to vector<256x1x128xf32>
    %squeeze3A_5 = vector.shape_cast %slice3A_4 : vector<256x1x128xf32> to vector<256x128xf32>
    %transpose3A_6 = tpu.transpose %squeeze3A_5, [1, 0] : vector<256x128xf32> -> vector<128x256xf32>
    %swap3A_7 = arith.constant 128 : index
    %swap3A_8 = arith.constant 0 : index
    %swap3A_9 = vector.load %arg2[%swap3A_7, %swap3A_8] : memref<6400x256xf32, #tpu.memory_space<vmem>>, vector<128x256xf32>
    tpu.vector_store %arg2[%swap3A_7, %swap3A_8], %transpose3A_6 {strides = array<i32>} : memref<6400x256xf32, #tpu.memory_space<vmem>>, vector<128x256xf32>,
    %slice3A_10 = vector.extract_strided_slice %reshape3A {offsets = [0, 2, 0], sizes = [256, 1, 128], strides = [1, 1, 1]} : vector<256x50x128xf32> to vector<256x1x128xf32>
    %squeeze3A_11 = vector.shape_cast %slice3A_10 : vector<256x1x128xf32> to vector<256x128xf32>
    %transpose3A_12 = tpu.transpose %squeeze3A_11, [1, 0] : vector<256x128xf32> -> vector<128x256xf32>
    %swap3A_13 = arith.constant 256 : index
    %swap3A_14 = arith.constant 0 : index
    %swap3A_15 = vector.load %arg2[%swap3A_13, %swap3A_14] : memref<6400x256xf32, #tpu.memory_space<vmem>>, vector<128x256xf32>
    tpu.vector_store %arg2[%swap3A_13, %swap3A_14], %transpose3A_12 {strides = array<i32>} : memref<6400x256xf32, #tpu.memory_space<vmem>>, vector<128x256xf32>,
    %slice3A_16 = vector.extract_strided_slice %reshape3A {offsets = [0, 3, 0], sizes = [256, 1, 128], strides = [1, 1, 1]} : vector<256x50x128xf32> to vector<256x1x128xf32>
    %squeeze3A_17 = vector.shape_cast %slice3A_16 : vector<256x1x128xf32> to vector<256x128xf32>
    %transpose3A_18 = tpu.transpose %squeeze3A_17, [1, 0] : vector<256x128xf32> -> vector<128x256xf32>
    %swap3A_19 = arith.constant 384 : index
    %swap3A_20 = arith.constant 0 : index
    %swap3A_21 = vector.load %arg2[%swap3A_19, %swap3A_20] : memref<6400x256xf32, #tpu.memory_space<vmem>>, vector<128x256xf32>
    tpu.vector_store %arg2[%swap3A_19, %swap3A_20], %transpose3A_18 {strides = array<i32>} : memref<6400x256xf32, #tpu.memory_space<vmem>>, vector<128x256xf32>,
    %slice3A_22 = vector.extract_strided_slice %reshape3A {offsets = [0, 4, 0], sizes = [256, 1, 128], strides = [1, 1, 1]} : vector<256x50x128xf32> to vector<256x1x128xf32>
    %squeeze3A_23 = vector.shape_cast %slice3A_22 : vector<256x1x128xf32> to vector<256x128xf32>
    %transpose3A_24 = tpu.transpose %squeeze3A_23, [1, 0] : vector<256x128xf32> -> vector<128x256xf32>
    %swap3A_25 = arith.constant 512 : index
    %swap3A_26 = arith.constant 0 : index
    %swap3A_27 = vector.load %arg2[%swap3A_25, %swap3A_26] : memref<6400x256xf32, #tpu.memory_space<vmem>>, vector<128x256xf32>
    tpu.vector_store %arg2[%swap3A_25, %swap3A_26], %transpose3A_24 {strides = array<i32>} : memref<6400x256xf32, #tpu.memory_space<vmem>>, vector<128x256xf32>,
    %slice3A_28 = vector.extract_strided_slice %reshape3A {offsets = [0, 5, 0], sizes = [256, 1, 128], strides = [1, 1, 1]} : vector<256x50x128xf32> to vector<256x1x128xf32>
    %squeeze3A_29 = vector.shape_cast %slice3A_28 : vector<256x1x128xf32> to vector<256x128xf32>
    %transpose3A_30 = tpu.transpose %squeeze3A_29, [1, 0] : vector<256x128xf32> -> vector<128x256xf32>
    %swap3A_31 = arith.constant 640 : index
    %swap3A_32 = arith.constant 0 : index
    %swap3A_33 = vector.load %arg2[%swap3A_31, %swap3A_32] : memref<6400x256xf32, #tpu.memory_space<vmem>>, vector<128x256xf32>
    tpu.vector_store %arg2[%swap3A_31, %swap3A_32], %transpose3A_30 {strides = array<i32>} : memref<6400x256xf32, #tpu.memory_space<vmem>>, vector<128x256xf32>,
    %slice3A_34 = vector.extract_strided_slice %reshape3A {offsets = [0, 6, 0], sizes = [256, 1, 128], strides = [1, 1, 1]} : vector<256x50x128xf32> to vector<256x1x128xf32>
    %squeeze3A_35 = vector.shape_cast %slice3A_34 : vector<256x1x128xf32> to vector<256x128xf32>
    %transpose3A_36 = tpu.transpose %squeeze3A_35, [1, 0] : vector<256x128xf32> -> vector<128x256xf32>
    %swap3A_37 = arith.constant 768 : index
    %swap3A_38 = arith.constant 0 : index
    %swap3A_39 = vector.load %arg2[%swap3A_37, %swap3A_38] : memref<6400x256xf32, #tpu.memory_space<vmem>>, vector<128x256xf32>
    tpu.vector_store %arg2[%swap3A_37, %swap3A_38], %transpose3A_36 {strides = array<i32>} : memref<6400x256xf32, #tpu.memory_space<vmem>>, vector<128x256xf32>,
    %slice3A_40 = vector.extract_strided_slice %reshape3A {offsets = [0, 7, 0], sizes = [256, 1, 128], strides = [1, 1, 1]} : vector<256x50x128xf32> to vector<256x1x128xf32>
    %squeeze3A_41 = vector.shape_cast %slice3A_40 : vector<256x1x128xf32> to vector<256x128xf32>
    %transpose3A_42 = tpu.transpose %squeeze3A_41, [1, 0] : vector<256x128xf32> -> vector<128x256xf32>
    %swap3A_43 = arith.constant 896 : index
    %swap3A_44 = arith.constant 0 : index
    %swap3A_45 = vector.load %arg2[%swap3A_43, %swap3A_44] : memref<6400x256xf32, #tpu.memory_space<vmem>>, vector<128x256xf32>
    tpu.vector_store %arg2[%swap3A_43, %swap3A_44], %transpose3A_42 {strides = array<i32>} : memref<6400x256xf32, #tpu.memory_space<vmem>>, vector<128x256xf32>,
    %slice3A_46 = vector.extract_strided_slice %reshape3A {offsets = [0, 8, 0], sizes = [256, 1, 128], strides = [1, 1, 1]} : vector<256x50x128xf32> to vector<256x1x128xf32>
    %squeeze3A_47 = vector.shape_cast %slice3A_46 : vector<256x1x128xf32> to vector<256x128xf32>
    %transpose3A_48 = tpu.transpose %squeeze3A_47, [1, 0] : vector<256x128xf32> -> vector<128x256xf32>
    %swap3A_49 = arith.constant 1024 : index
    %swap3A_50 = arith.constant 0 : index
    %swap3A_51 = vector.load %arg2[%swap3A_49, %swap3A_50] : memref<6400x256xf32, #tpu.memory_space<vmem>>, vector<128x256xf32>
    tpu.vector_store %arg2[%swap3A_49, %swap3A_50], %transpose3A_48 {strides = array<i32>} : memref<6400x256xf32, #tpu.memory_space<vmem>>, vector<128x256xf32>,
    %slice3A_52 = vector.extract_strided_slice %reshape3A {offsets = [0, 9, 0], sizes = [256, 1, 128], strides = [1, 1, 1]} : vector<256x50x128xf32> to vector<256x1x128xf32>
    %squeeze3A_53 = vector.shape_cast %slice3A_52 : vector<256x1x128xf32> to vector<256x128xf32>
    %transpose3A_54 = tpu.transpose %squeeze3A_53, [1, 0] : vector<256x128xf32> -> vector<128x256xf32>
    %swap3A_55 = arith.constant 1152 : index
    %swap3A_56 = arith.constant 0 : index
    %swap3A_57 = vector.load %arg2[%swap3A_55, %swap3A_56] : memref<6400x256xf32, #tpu.memory_space<vmem>>, vector<128x256xf32>
    tpu.vector_store %arg2[%swap3A_55, %swap3A_56], %transpose3A_54 {strides = array<i32>} : memref<6400x256xf32, #tpu.memory_space<vmem>>, vector<128x256xf32>,
    %slice3A_58 = vector.extract_strided_slice %reshape3A {offsets = [0, 10, 0], sizes = [256, 1, 128], strides = [1, 1, 1]} : vector<256x50x128xf32> to vector<256x1x128xf32>
    %squeeze3A_59 = vector.shape_cast %slice3A_58 : vector<256x1x128xf32> to vector<256x128xf32>
    %transpose3A_60 = tpu.transpose %squeeze3A_59, [1, 0] : vector<256x128xf32> -> vector<128x256xf32>
    %swap3A_61 = arith.constant 1280 : index
    %swap3A_62 = arith.constant 0 : index
    %swap3A_63 = vector.load %arg2[%swap3A_61, %swap3A_62] : memref<6400x256xf32, #tpu.memory_space<vmem>>, vector<128x256xf32>
    tpu.vector_store %arg2[%swap3A_61, %swap3A_62], %transpose3A_60 {strides = array<i32>} : memref<6400x256xf32, #tpu.memory_space<vmem>>, vector<128x256xf32>,
    %slice3A_64 = vector.extract_strided_slice %reshape3A {offsets = [0, 11, 0], sizes = [256, 1, 128], strides = [1, 1, 1]} : vector<256x50x128xf32> to vector<256x1x128xf32>
    %squeeze3A_65 = vector.shape_cast %slice3A_64 : vector<256x1x128xf32> to vector<256x128xf32>
    %transpose3A_66 = tpu.transpose %squeeze3A_65, [1, 0] : vector<256x128xf32> -> vector<128x256xf32>
    %swap3A_67 = arith.constant 1408 : index
    %swap3A_68 = arith.constant 0 : index
    %swap3A_69 = vector.load %arg2[%swap3A_67, %swap3A_68] : memref<6400x256xf32, #tpu.memory_space<vmem>>, vector<128x256xf32>
    tpu.vector_store %arg2[%swap3A_67, %swap3A_68], %transpose3A_66 {strides = array<i32>} : memref<6400x256xf32, #tpu.memory_space<vmem>>, vector<128x256xf32>,
    %slice3A_70 = vector.extract_strided_slice %reshape3A {offsets = [0, 12, 0], sizes = [256, 1, 128], strides = [1, 1, 1]} : vector<256x50x128xf32> to vector<256x1x128xf32>
    %squeeze3A_71 = vector.shape_cast %slice3A_70 : vector<256x1x128xf32> to vector<256x128xf32>
    %transpose3A_72 = tpu.transpose %squeeze3A_71, [1, 0] : vector<256x128xf32> -> vector<128x256xf32>
    %swap3A_73 = arith.constant 1536 : index
    %swap3A_74 = arith.constant 0 : index
    %swap3A_75 = vector.load %arg2[%swap3A_73, %swap3A_74] : memref<6400x256xf32, #tpu.memory_space<vmem>>, vector<128x256xf32>
    tpu.vector_store %arg2[%swap3A_73, %swap3A_74], %transpose3A_72 {strides = array<i32>} : memref<6400x256xf32, #tpu.memory_space<vmem>>, vector<128x256xf32>,
    %slice3A_76 = vector.extract_strided_slice %reshape3A {offsets = [0, 13, 0], sizes = [256, 1, 128], strides = [1, 1, 1]} : vector<256x50x128xf32> to vector<256x1x128xf32>
    %squeeze3A_77 = vector.shape_cast %slice3A_76 : vector<256x1x128xf32> to vector<256x128xf32>
    %transpose3A_78 = tpu.transpose %squeeze3A_77, [1, 0] : vector<256x128xf32> -> vector<128x256xf32>
    %swap3A_79 = arith.constant 1664 : index
    %swap3A_80 = arith.constant 0 : index
    %swap3A_81 = vector.load %arg2[%swap3A_79, %swap3A_80] : memref<6400x256xf32, #tpu.memory_space<vmem>>, vector<128x256xf32>
    tpu.vector_store %arg2[%swap3A_79, %swap3A_80], %transpose3A_78 {strides = array<i32>} : memref<6400x256xf32, #tpu.memory_space<vmem>>, vector<128x256xf32>,
    %slice3A_82 = vector.extract_strided_slice %reshape3A {offsets = [0, 14, 0], sizes = [256, 1, 128], strides = [1, 1, 1]} : vector<256x50x128xf32> to vector<256x1x128xf32>
    %squeeze3A_83 = vector.shape_cast %slice3A_82 : vector<256x1x128xf32> to vector<256x128xf32>
    %transpose3A_84 = tpu.transpose %squeeze3A_83, [1, 0] : vector<256x128xf32> -> vector<128x256xf32>
    %swap3A_85 = arith.constant 1792 : index
    %swap3A_86 = arith.constant 0 : index
    %swap3A_87 = vector.load %arg2[%swap3A_85, %swap3A_86] : memref<6400x256xf32, #tpu.memory_space<vmem>>, vector<128x256xf32>
    tpu.vector_store %arg2[%swap3A_85, %swap3A_86], %transpose3A_84 {strides = array<i32>} : memref<6400x256xf32, #tpu.memory_space<vmem>>, vector<128x256xf32>,
    %slice3A_88 = vector.extract_strided_slice %reshape3A {offsets = [0, 15, 0], sizes = [256, 1, 128], strides = [1, 1, 1]} : vector<256x50x128xf32> to vector<256x1x128xf32>
    %squeeze3A_89 = vector.shape_cast %slice3A_88 : vector<256x1x128xf32> to vector<256x128xf32>
    %transpose3A_90 = tpu.transpose %squeeze3A_89, [1, 0] : vector<256x128xf32> -> vector<128x256xf32>
    %swap3A_91 = arith.constant 1920 : index
    %swap3A_92 = arith.constant 0 : index
    %swap3A_93 = vector.load %arg2[%swap3A_91, %swap3A_92] : memref<6400x256xf32, #tpu.memory_space<vmem>>, vector<128x256xf32>
    tpu.vector_store %arg2[%swap3A_91, %swap3A_92], %transpose3A_90 {strides = array<i32>} : memref<6400x256xf32, #tpu.memory_space<vmem>>, vector<128x256xf32>,
    %slice3A_94 = vector.extract_strided_slice %reshape3A {offsets = [0, 16, 0], sizes = [256, 1, 128], strides = [1, 1, 1]} : vector<256x50x128xf32> to vector<256x1x128xf32>
    %squeeze3A_95 = vector.shape_cast %slice3A_94 : vector<256x1x128xf32> to vector<256x128xf32>
    %transpose3A_96 = tpu.transpose %squeeze3A_95, [1, 0] : vector<256x128xf32> -> vector<128x256xf32>
    %swap3A_97 = arith.constant 2048 : index
    %swap3A_98 = arith.constant 0 : index
    %swap3A_99 = vector.load %arg2[%swap3A_97, %swap3A_98] : memref<6400x256xf32, #tpu.memory_space<vmem>>, vector<128x256xf32>
    tpu.vector_store %arg2[%swap3A_97, %swap3A_98], %transpose3A_96 {strides = array<i32>} : memref<6400x256xf32, #tpu.memory_space<vmem>>, vector<128x256xf32>,
    %slice3A_100 = vector.extract_strided_slice %reshape3A {offsets = [0, 17, 0], sizes = [256, 1, 128], strides = [1, 1, 1]} : vector<256x50x128xf32> to vector<256x1x128xf32>
    %squeeze3A_101 = vector.shape_cast %slice3A_100 : vector<256x1x128xf32> to vector<256x128xf32>
    %transpose3A_102 = tpu.transpose %squeeze3A_101, [1, 0] : vector<256x128xf32> -> vector<128x256xf32>
    %swap3A_103 = arith.constant 2176 : index
    %swap3A_104 = arith.constant 0 : index
    %swap3A_105 = vector.load %arg2[%swap3A_103, %swap3A_104] : memref<6400x256xf32, #tpu.memory_space<vmem>>, vector<128x256xf32>
    tpu.vector_store %arg2[%swap3A_103, %swap3A_104], %transpose3A_102 {strides = array<i32>} : memref<6400x256xf32, #tpu.memory_space<vmem>>, vector<128x256xf32>,
    %slice3A_106 = vector.extract_strided_slice %reshape3A {offsets = [0, 18, 0], sizes = [256, 1, 128], strides = [1, 1, 1]} : vector<256x50x128xf32> to vector<256x1x128xf32>
    %squeeze3A_107 = vector.shape_cast %slice3A_106 : vector<256x1x128xf32> to vector<256x128xf32>
    %transpose3A_108 = tpu.transpose %squeeze3A_107, [1, 0] : vector<256x128xf32> -> vector<128x256xf32>
    %swap3A_109 = arith.constant 2304 : index
    %swap3A_110 = arith.constant 0 : index
    %swap3A_111 = vector.load %arg2[%swap3A_109, %swap3A_110] : memref<6400x256xf32, #tpu.memory_space<vmem>>, vector<128x256xf32>
    tpu.vector_store %arg2[%swap3A_109, %swap3A_110], %transpose3A_108 {strides = array<i32>} : memref<6400x256xf32, #tpu.memory_space<vmem>>, vector<128x256xf32>,
    %slice3A_112 = vector.extract_strided_slice %reshape3A {offsets = [0, 19, 0], sizes = [256, 1, 128], strides = [1, 1, 1]} : vector<256x50x128xf32> to vector<256x1x128xf32>
    %squeeze3A_113 = vector.shape_cast %slice3A_112 : vector<256x1x128xf32> to vector<256x128xf32>
    %transpose3A_114 = tpu.transpose %squeeze3A_113, [1, 0] : vector<256x128xf32> -> vector<128x256xf32>
    %swap3A_115 = arith.constant 2432 : index
    %swap3A_116 = arith.constant 0 : index
    %swap3A_117 = vector.load %arg2[%swap3A_115, %swap3A_116] : memref<6400x256xf32, #tpu.memory_space<vmem>>, vector<128x256xf32>
    tpu.vector_store %arg2[%swap3A_115, %swap3A_116], %transpose3A_114 {strides = array<i32>} : memref<6400x256xf32, #tpu.memory_space<vmem>>, vector<128x256xf32>,
    %slice3A_118 = vector.extract_strided_slice %reshape3A {offsets = [0, 20, 0], sizes = [256, 1, 128], strides = [1, 1, 1]} : vector<256x50x128xf32> to vector<256x1x128xf32>
    %squeeze3A_119 = vector.shape_cast %slice3A_118 : vector<256x1x128xf32> to vector<256x128xf32>
    %transpose3A_120 = tpu.transpose %squeeze3A_119, [1, 0] : vector<256x128xf32> -> vector<128x256xf32>
    %swap3A_121 = arith.constant 2560 : index
    %swap3A_122 = arith.constant 0 : index
    %swap3A_123 = vector.load %arg2[%swap3A_121, %swap3A_122] : memref<6400x256xf32, #tpu.memory_space<vmem>>, vector<128x256xf32>
    tpu.vector_store %arg2[%swap3A_121, %swap3A_122], %transpose3A_120 {strides = array<i32>} : memref<6400x256xf32, #tpu.memory_space<vmem>>, vector<128x256xf32>,
    %slice3A_124 = vector.extract_strided_slice %reshape3A {offsets = [0, 21, 0], sizes = [256, 1, 128], strides = [1, 1, 1]} : vector<256x50x128xf32> to vector<256x1x128xf32>
    %squeeze3A_125 = vector.shape_cast %slice3A_124 : vector<256x1x128xf32> to vector<256x128xf32>
    %transpose3A_126 = tpu.transpose %squeeze3A_125, [1, 0] : vector<256x128xf32> -> vector<128x256xf32>
    %swap3A_127 = arith.constant 2688 : index
    %swap3A_128 = arith.constant 0 : index
    %swap3A_129 = vector.load %arg2[%swap3A_127, %swap3A_128] : memref<6400x256xf32, #tpu.memory_space<vmem>>, vector<128x256xf32>
    tpu.vector_store %arg2[%swap3A_127, %swap3A_128], %transpose3A_126 {strides = array<i32>} : memref<6400x256xf32, #tpu.memory_space<vmem>>, vector<128x256xf32>,
    %slice3A_130 = vector.extract_strided_slice %reshape3A {offsets = [0, 22, 0], sizes = [256, 1, 128], strides = [1, 1, 1]} : vector<256x50x128xf32> to vector<256x1x128xf32>
    %squeeze3A_131 = vector.shape_cast %slice3A_130 : vector<256x1x128xf32> to vector<256x128xf32>
    %transpose3A_132 = tpu.transpose %squeeze3A_131, [1, 0] : vector<256x128xf32> -> vector<128x256xf32>
    %swap3A_133 = arith.constant 2816 : index
    %swap3A_134 = arith.constant 0 : index
    %swap3A_135 = vector.load %arg2[%swap3A_133, %swap3A_134] : memref<6400x256xf32, #tpu.memory_space<vmem>>, vector<128x256xf32>
    tpu.vector_store %arg2[%swap3A_133, %swap3A_134], %transpose3A_132 {strides = array<i32>} : memref<6400x256xf32, #tpu.memory_space<vmem>>, vector<128x256xf32>,
    %slice3A_136 = vector.extract_strided_slice %reshape3A {offsets = [0, 23, 0], sizes = [256, 1, 128], strides = [1, 1, 1]} : vector<256x50x128xf32> to vector<256x1x128xf32>
    %squeeze3A_137 = vector.shape_cast %slice3A_136 : vector<256x1x128xf32> to vector<256x128xf32>
    %transpose3A_138 = tpu.transpose %squeeze3A_137, [1, 0] : vector<256x128xf32> -> vector<128x256xf32>
    %swap3A_139 = arith.constant 2944 : index
    %swap3A_140 = arith.constant 0 : index
    %swap3A_141 = vector.load %arg2[%swap3A_139, %swap3A_140] : memref<6400x256xf32, #tpu.memory_space<vmem>>, vector<128x256xf32>
    tpu.vector_store %arg2[%swap3A_139, %swap3A_140], %transpose3A_138 {strides = array<i32>} : memref<6400x256xf32, #tpu.memory_space<vmem>>, vector<128x256xf32>,
    %slice3A_142 = vector.extract_strided_slice %reshape3A {offsets = [0, 24, 0], sizes = [256, 1, 128], strides = [1, 1, 1]} : vector<256x50x128xf32> to vector<256x1x128xf32>
    %squeeze3A_143 = vector.shape_cast %slice3A_142 : vector<256x1x128xf32> to vector<256x128xf32>
    %transpose3A_144 = tpu.transpose %squeeze3A_143, [1, 0] : vector<256x128xf32> -> vector<128x256xf32>
    %swap3A_145 = arith.constant 3072 : index
    %swap3A_146 = arith.constant 0 : index
    %swap3A_147 = vector.load %arg2[%swap3A_145, %swap3A_146] : memref<6400x256xf32, #tpu.memory_space<vmem>>, vector<128x256xf32>
    tpu.vector_store %arg2[%swap3A_145, %swap3A_146], %transpose3A_144 {strides = array<i32>} : memref<6400x256xf32, #tpu.memory_space<vmem>>, vector<128x256xf32>,
    %slice3A_148 = vector.extract_strided_slice %reshape3A {offsets = [0, 25, 0], sizes = [256, 1, 128], strides = [1, 1, 1]} : vector<256x50x128xf32> to vector<256x1x128xf32>
    %squeeze3A_149 = vector.shape_cast %slice3A_148 : vector<256x1x128xf32> to vector<256x128xf32>
    %transpose3A_150 = tpu.transpose %squeeze3A_149, [1, 0] : vector<256x128xf32> -> vector<128x256xf32>
    %swap3A_151 = arith.constant 3200 : index
    %swap3A_152 = arith.constant 0 : index
    %swap3A_153 = vector.load %arg2[%swap3A_151, %swap3A_152] : memref<6400x256xf32, #tpu.memory_space<vmem>>, vector<128x256xf32>
    tpu.vector_store %arg2[%swap3A_151, %swap3A_152], %transpose3A_150 {strides = array<i32>} : memref<6400x256xf32, #tpu.memory_space<vmem>>, vector<128x256xf32>,
    %slice3A_154 = vector.extract_strided_slice %reshape3A {offsets = [0, 26, 0], sizes = [256, 1, 128], strides = [1, 1, 1]} : vector<256x50x128xf32> to vector<256x1x128xf32>
    %squeeze3A_155 = vector.shape_cast %slice3A_154 : vector<256x1x128xf32> to vector<256x128xf32>
    %transpose3A_156 = tpu.transpose %squeeze3A_155, [1, 0] : vector<256x128xf32> -> vector<128x256xf32>
    %swap3A_157 = arith.constant 3328 : index
    %swap3A_158 = arith.constant 0 : index
    %swap3A_159 = vector.load %arg2[%swap3A_157, %swap3A_158] : memref<6400x256xf32, #tpu.memory_space<vmem>>, vector<128x256xf32>
    tpu.vector_store %arg2[%swap3A_157, %swap3A_158], %transpose3A_156 {strides = array<i32>} : memref<6400x256xf32, #tpu.memory_space<vmem>>, vector<128x256xf32>,
    %slice3A_160 = vector.extract_strided_slice %reshape3A {offsets = [0, 27, 0], sizes = [256, 1, 128], strides = [1, 1, 1]} : vector<256x50x128xf32> to vector<256x1x128xf32>
    %squeeze3A_161 = vector.shape_cast %slice3A_160 : vector<256x1x128xf32> to vector<256x128xf32>
    %transpose3A_162 = tpu.transpose %squeeze3A_161, [1, 0] : vector<256x128xf32> -> vector<128x256xf32>
    %swap3A_163 = arith.constant 3456 : index
    %swap3A_164 = arith.constant 0 : index
    %swap3A_165 = vector.load %arg2[%swap3A_163, %swap3A_164] : memref<6400x256xf32, #tpu.memory_space<vmem>>, vector<128x256xf32>
    tpu.vector_store %arg2[%swap3A_163, %swap3A_164], %transpose3A_162 {strides = array<i32>} : memref<6400x256xf32, #tpu.memory_space<vmem>>, vector<128x256xf32>,
    %slice3A_166 = vector.extract_strided_slice %reshape3A {offsets = [0, 28, 0], sizes = [256, 1, 128], strides = [1, 1, 1]} : vector<256x50x128xf32> to vector<256x1x128xf32>
    %squeeze3A_167 = vector.shape_cast %slice3A_166 : vector<256x1x128xf32> to vector<256x128xf32>
    %transpose3A_168 = tpu.transpose %squeeze3A_167, [1, 0] : vector<256x128xf32> -> vector<128x256xf32>
    %swap3A_169 = arith.constant 3584 : index
    %swap3A_170 = arith.constant 0 : index
    %swap3A_171 = vector.load %arg2[%swap3A_169, %swap3A_170] : memref<6400x256xf32, #tpu.memory_space<vmem>>, vector<128x256xf32>
    tpu.vector_store %arg2[%swap3A_169, %swap3A_170], %transpose3A_168 {strides = array<i32>} : memref<6400x256xf32, #tpu.memory_space<vmem>>, vector<128x256xf32>,
    %slice3A_172 = vector.extract_strided_slice %reshape3A {offsets = [0, 29, 0], sizes = [256, 1, 128], strides = [1, 1, 1]} : vector<256x50x128xf32> to vector<256x1x128xf32>
    %squeeze3A_173 = vector.shape_cast %slice3A_172 : vector<256x1x128xf32> to vector<256x128xf32>
    %transpose3A_174 = tpu.transpose %squeeze3A_173, [1, 0] : vector<256x128xf32> -> vector<128x256xf32>
    %swap3A_175 = arith.constant 3712 : index
    %swap3A_176 = arith.constant 0 : index
    %swap3A_177 = vector.load %arg2[%swap3A_175, %swap3A_176] : memref<6400x256xf32, #tpu.memory_space<vmem>>, vector<128x256xf32>
    tpu.vector_store %arg2[%swap3A_175, %swap3A_176], %transpose3A_174 {strides = array<i32>} : memref<6400x256xf32, #tpu.memory_space<vmem>>, vector<128x256xf32>,
    %slice3A_178 = vector.extract_strided_slice %reshape3A {offsets = [0, 30, 0], sizes = [256, 1, 128], strides = [1, 1, 1]} : vector<256x50x128xf32> to vector<256x1x128xf32>
    %squeeze3A_179 = vector.shape_cast %slice3A_178 : vector<256x1x128xf32> to vector<256x128xf32>
    %transpose3A_180 = tpu.transpose %squeeze3A_179, [1, 0] : vector<256x128xf32> -> vector<128x256xf32>
    %swap3A_181 = arith.constant 3840 : index
    %swap3A_182 = arith.constant 0 : index
    %swap3A_183 = vector.load %arg2[%swap3A_181, %swap3A_182] : memref<6400x256xf32, #tpu.memory_space<vmem>>, vector<128x256xf32>
    tpu.vector_store %arg2[%swap3A_181, %swap3A_182], %transpose3A_180 {strides = array<i32>} : memref<6400x256xf32, #tpu.memory_space<vmem>>, vector<128x256xf32>,
    %slice3A_184 = vector.extract_strided_slice %reshape3A {offsets = [0, 31, 0], sizes = [256, 1, 128], strides = [1, 1, 1]} : vector<256x50x128xf32> to vector<256x1x128xf32>
    %squeeze3A_185 = vector.shape_cast %slice3A_184 : vector<256x1x128xf32> to vector<256x128xf32>
    %transpose3A_186 = tpu.transpose %squeeze3A_185, [1, 0] : vector<256x128xf32> -> vector<128x256xf32>
    %swap3A_187 = arith.constant 3968 : index
    %swap3A_188 = arith.constant 0 : index
    %swap3A_189 = vector.load %arg2[%swap3A_187, %swap3A_188] : memref<6400x256xf32, #tpu.memory_space<vmem>>, vector<128x256xf32>
    tpu.vector_store %arg2[%swap3A_187, %swap3A_188], %transpose3A_186 {strides = array<i32>} : memref<6400x256xf32, #tpu.memory_space<vmem>>, vector<128x256xf32>,
    %slice3A_190 = vector.extract_strided_slice %reshape3A {offsets = [0, 32, 0], sizes = [256, 1, 128], strides = [1, 1, 1]} : vector<256x50x128xf32> to vector<256x1x128xf32>
    %squeeze3A_191 = vector.shape_cast %slice3A_190 : vector<256x1x128xf32> to vector<256x128xf32>
    %transpose3A_192 = tpu.transpose %squeeze3A_191, [1, 0] : vector<256x128xf32> -> vector<128x256xf32>
    %swap3A_193 = arith.constant 4096 : index
    %swap3A_194 = arith.constant 0 : index
    %swap3A_195 = vector.load %arg2[%swap3A_193, %swap3A_194] : memref<6400x256xf32, #tpu.memory_space<vmem>>, vector<128x256xf32>
    tpu.vector_store %arg2[%swap3A_193, %swap3A_194], %transpose3A_192 {strides = array<i32>} : memref<6400x256xf32, #tpu.memory_space<vmem>>, vector<128x256xf32>,
    %slice3A_196 = vector.extract_strided_slice %reshape3A {offsets = [0, 33, 0], sizes = [256, 1, 128], strides = [1, 1, 1]} : vector<256x50x128xf32> to vector<256x1x128xf32>
    %squeeze3A_197 = vector.shape_cast %slice3A_196 : vector<256x1x128xf32> to vector<256x128xf32>
    %transpose3A_198 = tpu.transpose %squeeze3A_197, [1, 0] : vector<256x128xf32> -> vector<128x256xf32>
    %swap3A_199 = arith.constant 4224 : index
    %swap3A_200 = arith.constant 0 : index
    %swap3A_201 = vector.load %arg2[%swap3A_199, %swap3A_200] : memref<6400x256xf32, #tpu.memory_space<vmem>>, vector<128x256xf32>
    tpu.vector_store %arg2[%swap3A_199, %swap3A_200], %transpose3A_198 {strides = array<i32>} : memref<6400x256xf32, #tpu.memory_space<vmem>>, vector<128x256xf32>,
    %slice3A_202 = vector.extract_strided_slice %reshape3A {offsets = [0, 34, 0], sizes = [256, 1, 128], strides = [1, 1, 1]} : vector<256x50x128xf32> to vector<256x1x128xf32>
    %squeeze3A_203 = vector.shape_cast %slice3A_202 : vector<256x1x128xf32> to vector<256x128xf32>
    %transpose3A_204 = tpu.transpose %squeeze3A_203, [1, 0] : vector<256x128xf32> -> vector<128x256xf32>
    %swap3A_205 = arith.constant 4352 : index
    %swap3A_206 = arith.constant 0 : index
    %swap3A_207 = vector.load %arg2[%swap3A_205, %swap3A_206] : memref<6400x256xf32, #tpu.memory_space<vmem>>, vector<128x256xf32>
    tpu.vector_store %arg2[%swap3A_205, %swap3A_206], %transpose3A_204 {strides = array<i32>} : memref<6400x256xf32, #tpu.memory_space<vmem>>, vector<128x256xf32>,
    %slice3A_208 = vector.extract_strided_slice %reshape3A {offsets = [0, 35, 0], sizes = [256, 1, 128], strides = [1, 1, 1]} : vector<256x50x128xf32> to vector<256x1x128xf32>
    %squeeze3A_209 = vector.shape_cast %slice3A_208 : vector<256x1x128xf32> to vector<256x128xf32>
    %transpose3A_210 = tpu.transpose %squeeze3A_209, [1, 0] : vector<256x128xf32> -> vector<128x256xf32>
    %swap3A_211 = arith.constant 4480 : index
    %swap3A_212 = arith.constant 0 : index
    %swap3A_213 = vector.load %arg2[%swap3A_211, %swap3A_212] : memref<6400x256xf32, #tpu.memory_space<vmem>>, vector<128x256xf32>
    tpu.vector_store %arg2[%swap3A_211, %swap3A_212], %transpose3A_210 {strides = array<i32>} : memref<6400x256xf32, #tpu.memory_space<vmem>>, vector<128x256xf32>,
    %slice3A_214 = vector.extract_strided_slice %reshape3A {offsets = [0, 36, 0], sizes = [256, 1, 128], strides = [1, 1, 1]} : vector<256x50x128xf32> to vector<256x1x128xf32>
    %squeeze3A_215 = vector.shape_cast %slice3A_214 : vector<256x1x128xf32> to vector<256x128xf32>
    %transpose3A_216 = tpu.transpose %squeeze3A_215, [1, 0] : vector<256x128xf32> -> vector<128x256xf32>
    %swap3A_217 = arith.constant 4608 : index
    %swap3A_218 = arith.constant 0 : index
    %swap3A_219 = vector.load %arg2[%swap3A_217, %swap3A_218] : memref<6400x256xf32, #tpu.memory_space<vmem>>, vector<128x256xf32>
    tpu.vector_store %arg2[%swap3A_217, %swap3A_218], %transpose3A_216 {strides = array<i32>} : memref<6400x256xf32, #tpu.memory_space<vmem>>, vector<128x256xf32>,
    %slice3A_220 = vector.extract_strided_slice %reshape3A {offsets = [0, 37, 0], sizes = [256, 1, 128], strides = [1, 1, 1]} : vector<256x50x128xf32> to vector<256x1x128xf32>
    %squeeze3A_221 = vector.shape_cast %slice3A_220 : vector<256x1x128xf32> to vector<256x128xf32>
    %transpose3A_222 = tpu.transpose %squeeze3A_221, [1, 0] : vector<256x128xf32> -> vector<128x256xf32>
    %swap3A_223 = arith.constant 4736 : index
    %swap3A_224 = arith.constant 0 : index
    %swap3A_225 = vector.load %arg2[%swap3A_223, %swap3A_224] : memref<6400x256xf32, #tpu.memory_space<vmem>>, vector<128x256xf32>
    tpu.vector_store %arg2[%swap3A_223, %swap3A_224], %transpose3A_222 {strides = array<i32>} : memref<6400x256xf32, #tpu.memory_space<vmem>>, vector<128x256xf32>,
    %slice3A_226 = vector.extract_strided_slice %reshape3A {offsets = [0, 38, 0], sizes = [256, 1, 128], strides = [1, 1, 1]} : vector<256x50x128xf32> to vector<256x1x128xf32>
    %squeeze3A_227 = vector.shape_cast %slice3A_226 : vector<256x1x128xf32> to vector<256x128xf32>
    %transpose3A_228 = tpu.transpose %squeeze3A_227, [1, 0] : vector<256x128xf32> -> vector<128x256xf32>
    %swap3A_229 = arith.constant 4864 : index
    %swap3A_230 = arith.constant 0 : index
    %swap3A_231 = vector.load %arg2[%swap3A_229, %swap3A_230] : memref<6400x256xf32, #tpu.memory_space<vmem>>, vector<128x256xf32>
    tpu.vector_store %arg2[%swap3A_229, %swap3A_230], %transpose3A_228 {strides = array<i32>} : memref<6400x256xf32, #tpu.memory_space<vmem>>, vector<128x256xf32>,
    %slice3A_232 = vector.extract_strided_slice %reshape3A {offsets = [0, 39, 0], sizes = [256, 1, 128], strides = [1, 1, 1]} : vector<256x50x128xf32> to vector<256x1x128xf32>
    %squeeze3A_233 = vector.shape_cast %slice3A_232 : vector<256x1x128xf32> to vector<256x128xf32>
    %transpose3A_234 = tpu.transpose %squeeze3A_233, [1, 0] : vector<256x128xf32> -> vector<128x256xf32>
    %swap3A_235 = arith.constant 4992 : index
    %swap3A_236 = arith.constant 0 : index
    %swap3A_237 = vector.load %arg2[%swap3A_235, %swap3A_236] : memref<6400x256xf32, #tpu.memory_space<vmem>>, vector<128x256xf32>
    tpu.vector_store %arg2[%swap3A_235, %swap3A_236], %transpose3A_234 {strides = array<i32>} : memref<6400x256xf32, #tpu.memory_space<vmem>>, vector<128x256xf32>,
    %slice3A_238 = vector.extract_strided_slice %reshape3A {offsets = [0, 40, 0], sizes = [256, 1, 128], strides = [1, 1, 1]} : vector<256x50x128xf32> to vector<256x1x128xf32>
    %squeeze3A_239 = vector.shape_cast %slice3A_238 : vector<256x1x128xf32> to vector<256x128xf32>
    %transpose3A_240 = tpu.transpose %squeeze3A_239, [1, 0] : vector<256x128xf32> -> vector<128x256xf32>
    %swap3A_241 = arith.constant 5120 : index
    %swap3A_242 = arith.constant 0 : index
    %swap3A_243 = vector.load %arg2[%swap3A_241, %swap3A_242] : memref<6400x256xf32, #tpu.memory_space<vmem>>, vector<128x256xf32>
    tpu.vector_store %arg2[%swap3A_241, %swap3A_242], %transpose3A_240 {strides = array<i32>} : memref<6400x256xf32, #tpu.memory_space<vmem>>, vector<128x256xf32>,
    %slice3A_244 = vector.extract_strided_slice %reshape3A {offsets = [0, 41, 0], sizes = [256, 1, 128], strides = [1, 1, 1]} : vector<256x50x128xf32> to vector<256x1x128xf32>
    %squeeze3A_245 = vector.shape_cast %slice3A_244 : vector<256x1x128xf32> to vector<256x128xf32>
    %transpose3A_246 = tpu.transpose %squeeze3A_245, [1, 0] : vector<256x128xf32> -> vector<128x256xf32>
    %swap3A_247 = arith.constant 5248 : index
    %swap3A_248 = arith.constant 0 : index
    %swap3A_249 = vector.load %arg2[%swap3A_247, %swap3A_248] : memref<6400x256xf32, #tpu.memory_space<vmem>>, vector<128x256xf32>
    tpu.vector_store %arg2[%swap3A_247, %swap3A_248], %transpose3A_246 {strides = array<i32>} : memref<6400x256xf32, #tpu.memory_space<vmem>>, vector<128x256xf32>,
    %slice3A_250 = vector.extract_strided_slice %reshape3A {offsets = [0, 42, 0], sizes = [256, 1, 128], strides = [1, 1, 1]} : vector<256x50x128xf32> to vector<256x1x128xf32>
    %squeeze3A_251 = vector.shape_cast %slice3A_250 : vector<256x1x128xf32> to vector<256x128xf32>
    %transpose3A_252 = tpu.transpose %squeeze3A_251, [1, 0] : vector<256x128xf32> -> vector<128x256xf32>
    %swap3A_253 = arith.constant 5376 : index
    %swap3A_254 = arith.constant 0 : index
    %swap3A_255 = vector.load %arg2[%swap3A_253, %swap3A_254] : memref<6400x256xf32, #tpu.memory_space<vmem>>, vector<128x256xf32>
    tpu.vector_store %arg2[%swap3A_253, %swap3A_254], %transpose3A_252 {strides = array<i32>} : memref<6400x256xf32, #tpu.memory_space<vmem>>, vector<128x256xf32>,
    %slice3A_256 = vector.extract_strided_slice %reshape3A {offsets = [0, 43, 0], sizes = [256, 1, 128], strides = [1, 1, 1]} : vector<256x50x128xf32> to vector<256x1x128xf32>
    %squeeze3A_257 = vector.shape_cast %slice3A_256 : vector<256x1x128xf32> to vector<256x128xf32>
    %transpose3A_258 = tpu.transpose %squeeze3A_257, [1, 0] : vector<256x128xf32> -> vector<128x256xf32>
    %swap3A_259 = arith.constant 5504 : index
    %swap3A_260 = arith.constant 0 : index
    %swap3A_261 = vector.load %arg2[%swap3A_259, %swap3A_260] : memref<6400x256xf32, #tpu.memory_space<vmem>>, vector<128x256xf32>
    tpu.vector_store %arg2[%swap3A_259, %swap3A_260], %transpose3A_258 {strides = array<i32>} : memref<6400x256xf32, #tpu.memory_space<vmem>>, vector<128x256xf32>,
    %slice3A_262 = vector.extract_strided_slice %reshape3A {offsets = [0, 44, 0], sizes = [256, 1, 128], strides = [1, 1, 1]} : vector<256x50x128xf32> to vector<256x1x128xf32>
    %squeeze3A_263 = vector.shape_cast %slice3A_262 : vector<256x1x128xf32> to vector<256x128xf32>
    %transpose3A_264 = tpu.transpose %squeeze3A_263, [1, 0] : vector<256x128xf32> -> vector<128x256xf32>
    %swap3A_265 = arith.constant 5632 : index
    %swap3A_266 = arith.constant 0 : index
    %swap3A_267 = vector.load %arg2[%swap3A_265, %swap3A_266] : memref<6400x256xf32, #tpu.memory_space<vmem>>, vector<128x256xf32>
    tpu.vector_store %arg2[%swap3A_265, %swap3A_266], %transpose3A_264 {strides = array<i32>} : memref<6400x256xf32, #tpu.memory_space<vmem>>, vector<128x256xf32>,
    %slice3A_268 = vector.extract_strided_slice %reshape3A {offsets = [0, 45, 0], sizes = [256, 1, 128], strides = [1, 1, 1]} : vector<256x50x128xf32> to vector<256x1x128xf32>
    %squeeze3A_269 = vector.shape_cast %slice3A_268 : vector<256x1x128xf32> to vector<256x128xf32>
    %transpose3A_270 = tpu.transpose %squeeze3A_269, [1, 0] : vector<256x128xf32> -> vector<128x256xf32>
    %swap3A_271 = arith.constant 5760 : index
    %swap3A_272 = arith.constant 0 : index
    %swap3A_273 = vector.load %arg2[%swap3A_271, %swap3A_272] : memref<6400x256xf32, #tpu.memory_space<vmem>>, vector<128x256xf32>
    tpu.vector_store %arg2[%swap3A_271, %swap3A_272], %transpose3A_270 {strides = array<i32>} : memref<6400x256xf32, #tpu.memory_space<vmem>>, vector<128x256xf32>,
    %slice3A_274 = vector.extract_strided_slice %reshape3A {offsets = [0, 46, 0], sizes = [256, 1, 128], strides = [1, 1, 1]} : vector<256x50x128xf32> to vector<256x1x128xf32>
    %squeeze3A_275 = vector.shape_cast %slice3A_274 : vector<256x1x128xf32> to vector<256x128xf32>
    %transpose3A_276 = tpu.transpose %squeeze3A_275, [1, 0] : vector<256x128xf32> -> vector<128x256xf32>
    %swap3A_277 = arith.constant 5888 : index
    %swap3A_278 = arith.constant 0 : index
    %swap3A_279 = vector.load %arg2[%swap3A_277, %swap3A_278] : memref<6400x256xf32, #tpu.memory_space<vmem>>, vector<128x256xf32>
    tpu.vector_store %arg2[%swap3A_277, %swap3A_278], %transpose3A_276 {strides = array<i32>} : memref<6400x256xf32, #tpu.memory_space<vmem>>, vector<128x256xf32>,
    %slice3A_280 = vector.extract_strided_slice %reshape3A {offsets = [0, 47, 0], sizes = [256, 1, 128], strides = [1, 1, 1]} : vector<256x50x128xf32> to vector<256x1x128xf32>
    %squeeze3A_281 = vector.shape_cast %slice3A_280 : vector<256x1x128xf32> to vector<256x128xf32>
    %transpose3A_282 = tpu.transpose %squeeze3A_281, [1, 0] : vector<256x128xf32> -> vector<128x256xf32>
    %swap3A_283 = arith.constant 6016 : index
    %swap3A_284 = arith.constant 0 : index
    %swap3A_285 = vector.load %arg2[%swap3A_283, %swap3A_284] : memref<6400x256xf32, #tpu.memory_space<vmem>>, vector<128x256xf32>
    tpu.vector_store %arg2[%swap3A_283, %swap3A_284], %transpose3A_282 {strides = array<i32>} : memref<6400x256xf32, #tpu.memory_space<vmem>>, vector<128x256xf32>,
    %slice3A_286 = vector.extract_strided_slice %reshape3A {offsets = [0, 48, 0], sizes = [256, 1, 128], strides = [1, 1, 1]} : vector<256x50x128xf32> to vector<256x1x128xf32>
    %squeeze3A_287 = vector.shape_cast %slice3A_286 : vector<256x1x128xf32> to vector<256x128xf32>
    %transpose3A_288 = tpu.transpose %squeeze3A_287, [1, 0] : vector<256x128xf32> -> vector<128x256xf32>
    %swap3A_289 = arith.constant 6144 : index
    %swap3A_290 = arith.constant 0 : index
    %swap3A_291 = vector.load %arg2[%swap3A_289, %swap3A_290] : memref<6400x256xf32, #tpu.memory_space<vmem>>, vector<128x256xf32>
    tpu.vector_store %arg2[%swap3A_289, %swap3A_290], %transpose3A_288 {strides = array<i32>} : memref<6400x256xf32, #tpu.memory_space<vmem>>, vector<128x256xf32>,
    %slice3A_292 = vector.extract_strided_slice %reshape3A {offsets = [0, 49, 0], sizes = [256, 1, 128], strides = [1, 1, 1]} : vector<256x50x128xf32> to vector<256x1x128xf32>
    %squeeze3A_293 = vector.shape_cast %slice3A_292 : vector<256x1x128xf32> to vector<256x128xf32>
    %transpose3A_294 = tpu.transpose %squeeze3A_293, [1, 0] : vector<256x128xf32> -> vector<128x256xf32>
    %swap3A_295 = arith.constant 6272 : index
    %swap3A_296 = arith.constant 0 : index
    %swap3A_297 = vector.load %arg2[%swap3A_295, %swap3A_296] : memref<6400x256xf32, #tpu.memory_space<vmem>>, vector<128x256xf32>
    tpu.vector_store %arg2[%swap3A_295, %swap3A_296], %transpose3A_294 {strides = array<i32>} : memref<6400x256xf32, #tpu.memory_space<vmem>>, vector<128x256xf32>,
    return
  }
  func.func @transform_0(%arg0: i32) -> (i32, i32) {
    %c0_i32 = arith.constant 0 : i32
    %c0_i32_0 = arith.constant 0 : i32
    return %arg0, %c0_i32 : i32, i32
  }
  func.func @transform_1(%arg0: i32) -> (i32, i32) {
    %c0_i32 = arith.constant 0 : i32
    %c0_i32_0 = arith.constant 0 : i32
    return %c0_i32, %arg0 : i32, i32
  }
}

</mosaic_0001>

<sc_bundles>
// kernel: kernel.4.cloned.1.call-start
scs
__scs_entry_jumppad:
0x0: {  	(pc) =	sbr.rel $0x88, $3  }
0x1: {  	(tag) =	ssettag $0x0;
	lr =	simm.s32 $0x1  }
0x2: {  	[smem:$0x3F9F] =	sst lr;
	_ =	strace $0xD0000000  }
0x3: {  	_ = 	snop  }
0x4: {  	_ = 	snop  }
0x5: {  	_ = 	snop  }
0x6: {  	_ = 	snop  }
0x7: {  	_ = 	snop  }
__scs_overlays_trampoline_lowered:
0x8: {  	[smem:$0x3FAE] =	sst s0  }
0x9: {  	[smem:$0x3FAF] =	sst s1  }
0xa: {  	[smem:$0x3FB0] =	sst s2  }
0xb: {  	[smem:$0x3FB1] =	sst s3  }
0xc: {  	[smem:$0x3FB2] =	sst s4  }
0xd: {  	[smem:$0x3FB3] =	sst s5  }
0xe: {  	[smem:$0x3FB4] =	sst s6  }
0xf: {  	[smem:$0x3FB5] =	sst s7  }
0x10: {  	[smem:$0x3FB6] =	sst s8  }
0x11: {  	[smem:$0x3FB7] =	sst s9;
	s0 =	simm.s32 @!p0 $0x0  }
0x12: {  	s1 =	sld [smem:$0x3F9D];
	s0 =	simm.s32 @p0 $0x1  }
0x13: {  	[smem:$0x3FB8] =	sst s0;
	s0 =	simm.s32 @!p1 $0x0  }
0x14: {  	s2 =	sld [smem:$0x3F9C];
	s0 =	simm.s32 @p1 $0x1  }
0x15: {  	[smem:$0x3FB9] =	sst s0;
	s0 =	simm.s32 @!p2 $0x0  }
0x16: {  	s3 =	sld [smem:$0x3FDB];
	s0 =	simm.s32 @p2 $0x1  }
0x17: {  	s4 =	simm.s32 $0x1BF5;
	[smem:$0x3FBB] =	sst s0  }
0x18: {  	s0 =	sld [smem:$0x3F9E];
	_ =	swait.ge [sflag:s4], $0x0  }
0x19: {  	s7 =	sld [smem:$0x3F9F]  }
0x1a: {  	s8 =	sadd.s32 $0xFFFFE003, lr  }
0x1b: {  	s9 =	sadd.s32 $0xFFFFFEF7, lr;
	s5 =	simm.s32 $0xFFFFFFFF;
	p2 =	slt.u32 s8, $0xFFFFF086  }
0x1c: {  	p1 =	slt.u32 s9, $0xF7A;
	s5 =	simm.s32 @!p2 $0x0  }
0x1d: {  	s5 =	simm.s32 @p1 $0x1;
	p0 =	seq.s32 s7, s2  }
0x1e: {  	s7 =	smul.u32 @!p0 $0xF7A, s2;
	p2 =	seq.s32 @!p0 s5, $0x0  }
0x1f: {  	s9 =	smul.u32 $0xF7A, s1;
	s8 =	simm.s32 @!p0 $0x1BF5;
	p2 =	por !p2, p0  }
0x20: {  	[sflag:s8] =	ssyncset.s32 @!p0 $0xFFFFF086;
	s6 =	sadd.s32 @!p0 s3, s7;
	s7 =	simm.s32 @!p0 $0x108  }
0x21: {  	s3 =	sadd.s32 s3, s9;
	s6 =	sadd.s32 @!p0 $0x88, s6;
	s7 =	simm.s32 @p2 $0x1082  }
0x22: {  	[simem:s7], [sflag:s8] =	dma.local @!p0 [hbm:s6], $0xF7A  }
0x23: {  	s9 =	sor.u32 $0xD0000000, s2;
	s6 =	simm.s32 $0x108;
	_ =	swait.ge @!p0 [sflag:s8], $0x0  }
0x24: {  	s3 =	sadd.s32 $0x88, s3;
	s6 =	simm.s32 @!p1 $0x1082;
	[sflag:s4] =	ssyncset.s32 $0xFFFFF086  }
0x25: {  	[simem:s6], [sflag:s4] =	dma.local [hbm:s3], $0xF7A  }
0x26: {  	[smem:$0x3F9F] =	sst s1;
	(tag) =	ssettag s2;
	_ =	strace s9  }
0x27: {  	s1 =	sld [smem:$0x3FAF]  }
0x28: {  	s2 =	sld [smem:$0x3FB0]  }
0x29: {  	s4 =	sld [smem:$0x3FB2]  }
0x2a: {  	p0 =	seq.s32 s5, $0x0;
	s5 =	sld [smem:$0x3FB3]  }
0x2b: {  	s6 =	sld [smem:$0x3FB4]  }
0x2c: {  	s7 =	sld [smem:$0x3FB5]  }
0x2d: {  	s3 =	simm.s32 $0x108;
	s8 =	sld [smem:$0x3FB6]  }
0x2e: {  	s3 =	simm.s32 @!p0 $0x1082;
	s9 =	sld [smem:$0x3FB7]  }
0x2f: {  	lr =	sadd.s32 s0, s3;
	s0 =	sld [smem:$0x3FAE]  }
0x30: {  	s3 =	sld [smem:$0x3FB1]  }
0x31: {  	[smem:$0x3FBA] =	sst s10  }
0x32: {  	s10 =	sld [smem:$0x3FB8];
	_ =	sdelay $0x3  }
0x33: {  	p0 =	seq.s32 s10, $0x1;
	s10 =	sld [smem:$0x3FBA];
	_ =	sdelay $0x3  }
0x34: {  	[smem:$0x3FBA] =	sst s10  }
0x35: {  	s10 =	sld [smem:$0x3FB9];
	_ =	sdelay $0x3  }
0x36: {  	p1 =	seq.s32 s10, $0x1;
	s10 =	sld [smem:$0x3FBA];
	_ =	sdelay $0x3  }
0x37: {  	[smem:$0x3FBA] =	sst s10  }
0x38: {  	s10 =	sld [smem:$0x3FBB]  }
0x39: {  	_ = 	snop;
	(pc) =	sbr.ind lr, $3  }
0x3a: {  	_ = 	snop  }
0x3b: {  	_ = 	snop  }
0x3c: {  	p2 =	seq.s32 s10, $0x1;
	s10 =	sld [smem:$0x3FBA]  }
0x3d: {  	_ =	shalt  }
0x3e: {  	_ =	shalt  }
0x3f: {  	_ =	shalt  }
0x40: {  	_ =	shalt  }
0x41: {  	_ =	shalt  }
0x42: {  	_ =	shalt  }
0x43: {  	_ =	shalt  }
0x44: {  	_ =	shalt  }
0x45: {  	_ =	shalt  }
0x46: {  	_ =	shalt  }
0x47: {  	_ =	shalt  }
0x48: {  	_ =	shalt  }
0x49: {  	_ =	shalt  }
0x4a: {  	_ =	shalt  }
0x4b: {  	_ =	shalt  }
0x4c: {  	_ =	shalt  }
0x4d: {  	_ =	shalt  }
0x4e: {  	_ =	shalt  }
0x4f: {  	_ =	shalt  }
0x50: {  	_ =	shalt  }
0x51: {  	_ =	shalt  }
0x52: {  	_ =	shalt  }
0x53: {  	_ =	shalt  }
0x54: {  	_ =	shalt  }
0x55: {  	_ =	shalt  }
0x56: {  	_ =	shalt  }
0x57: {  	_ =	shalt  }
0x58: {  	_ =	shalt  }
0x59: {  	_ =	shalt  }
0x5a: {  	_ =	shalt  }
0x5b: {  	_ =	shalt  }
0x5c: {  	_ =	shalt  }
0x5d: {  	_ =	shalt  }
0x5e: {  	_ =	shalt  }
0x5f: {  	_ =	shalt  }
0x60: {  	_ =	shalt  }
0x61: {  	_ =	shalt  }
0x62: {  	_ =	shalt  }
0x63: {  	_ =	shalt  }
0x64: {  	_ =	shalt  }
0x65: {  	_ =	shalt  }
0x66: {  	_ =	shalt  }
0x67: {  	_ =	shalt  }
0x68: {  	_ =	shalt  }
0x69: {  	_ =	shalt  }
0x6a: {  	_ =	shalt  }
0x6b: {  	_ =	shalt  }
0x6c: {  	_ =	shalt  }
0x6d: {  	_ =	shalt  }
0x6e: {  	_ =	shalt  }
0x6f: {  	_ =	shalt  }
0x70: {  	_ =	shalt  }
0x71: {  	_ =	shalt  }
0x72: {  	_ =	shalt  }
0x73: {  	_ =	shalt  }
0x74: {  	_ =	shalt  }
0x75: {  	_ =	shalt  }
0x76: {  	_ =	shalt  }
0x77: {  	_ =	shalt  }
0x78: {  	_ =	shalt  }
0x79: {  	_ =	shalt  }
0x7a: {  	_ =	shalt  }
0x7b: {  	_ =	shalt  }
0x7c: {  	_ =	shalt  }
0x7d: {  	_ =	shalt  }
0x7e: {  	_ =	shalt  }
0x7f: {  	_ =	shalt  }
0x80: {  	_ =	shalt  }
0x81: {  	_ =	shalt  }
0x82: {  	_ =	shalt  }
0x83: {  	_ =	shalt  }
0x84: {  	_ =	shalt  }
0x85: {  	_ =	shalt  }
0x86: {  	_ =	shalt  }
0x87: {  	_ =	shalt  }
.Lfunc_end0:
.L_simem_size_0:
called_computation_lowered:
.L_overlay_start_0:
0x88: {  	s2 =	sld [smem:$0x3FD9]  }
0x89: {  	s3 =	sld [smem:$0x3FFE];
	_ =	sdelay $0x1  }
0x8a: {  	s1 =	srdreg.scid  }
0x8b: {  	s0 =	sand.u32 $0x1, s1  }
0x8c: {  	s17 =	sshll.u32 s0, $0xA;
	s2 =	sadd.s32 s3, s2  }
0x8d: {  	s2 =	sadd.s32 s2, s17  }
0x8e: {  	[smem:$0x3FC6] =	sst s2  }
0x8f: {  	_ = 	snop  }
0x90: {  	s2 =	sld [smem:$0x3FD0];
	(tm) =	ssettm $0x1  }
0x91: {  	s18 =	sld [smem:$0x3FFB];
	_ =	sdelay $0x3  }
0x92: {  	_ =	strace s18  }
0x93: {  	s3 =	sld [smem:$0x3FFC];
	_ =	sdelay $0x3  }
0x94: {  	_ =	strace s3  }
0x95: {  	s3 =	sld [smem:$0x3FFD];
	_ =	sdelay $0x3  }
0x96: {  	_ =	strace s3  }
0x97: {  	_ =	strace $0x8FFFFFFF  }
0x98: {  	s19 =	sld [smem:$0x3FDB];
	_ =	sdelay $0x1  }
0x99: {  	s4 =	simm.s32 $_scs_section_size  }
0x9a: {  	s5 =	simm.s32 $_size__tile_overlayer_lowered;
	s6 =	simm.s32 $_tile_overlayer_lowered  }
0x9b: {  	s22 =	simm.s32 $0x1BFF;
	s21 =	sshll.u32 s6, $0x1;
	s3 =	sadd.s32 s4, s19  }
0x9c: {  	s7 =	simm.s32 $0x0;
	s20 =	sshll.u32 s5, $0x1;
	s5 =	sadd.s32 s21, s3  }
0x9d: {  	[timem:s7], [sflag:s22] =	dma.local [hbm:s5], s20  }
0x9e: {  	_ =	swait.ge [sflag:s22], s20  }
0x9f: {  	s4 =	ssub.s32 $0x0, s20;
	[sflag:s22] =	ssyncset.done $0x0  }
0xa0: {  	[sflag:s22] =	ssyncadd.s32 s4;
	_ =	sdelay $0x1  }
0xa1: {  	s23 =	simm.s32 $0x1B8B  }
0xa2: {  	_ =	swait.ge [sflag:s23], $0x1  }
0xa3: {  	[sflag:s23] =	ssyncset.done $0x0  }
0xa4: {  	s25 =	simm.s32 $0x1B8E;
	s24 =	sld [smem:$0x3FFE];
	[sflag:s23] =	ssyncadd.s32 $0xFFFFFFFF  }
0xa5: {  	s26 =	simm.s32 $execute0_lowered;
	[smem:$0x3FD2] =	sst s25  }
0xa6: {  	s5 =	sshll.u32 s26, $0x1;
	_ =	strace $0x80000046;
	[dreg:$0x1] =	wrdreg $0xFFFFFFFF  }
0xa7: {  	s28 =	simm.s32 $_size_execute0_lowered;
	s3 =	sadd.s32 s3, s5;
	[dreg:$0x0] =	wrdreg $0x0  }
0xa8: {  	s5 =	sshll.u32 s28, $0x1;
	[dreg:$0x2] =	wrdreg s3  }
0xa9: {  	[dreg:$0x3] =	wrdreg s5  }
0xaa: {  	[dreg:$0x4] =	wrdreg $0xC0  }
0xab: {  	_ =	task [dreg:s7], $0x5FFFF  }
0xac: {  	[dreg:$0x1] =	wrdreg $0xFFFFFFFF  }
0xad: {  	[dreg:$0x0] =	wrdreg $0x60  }
0xae: {  	[dreg:$0x2] =	wrdreg s24  }
0xaf: {  	[dreg:$0x3] =	wrdreg s2  }
0xb0: {  	[dreg:$0x4] =	wrdreg $0x9  }
0xb1: {  	_ =	task.clear_ibuf [dreg:s7], $0x5FFFF;
	_ =	strace $0x90000046  }
0xb2: {  	s29 =	simm.s32 $0x9;
	_ =	strace $0x80000048  }
0xb3: {  	_ =	swait.ge [sflag:s29], $0x1  }
0xb4: {  	[sflag:s29] =	ssyncadd.s32 $0xFFFFFFFF  }
0xb5: {  	_ =	strace $0x90000048  }
0xb6: {  	_ =	sfence  }
0xb7: {  	s30 =	sld [smem:$0x0];
	_ =	sdelay $0x2  }
0xb8: {  	s31 =	sshll.u32 s1, $0xD;
	s1 =	sshrl.u32 s1, $0x2  }
0xb9: {  	s3 =	sand.u32 $0x4000, s31;
	s1 =	sadd.s32 s1, s30  }
0xba: {  	s0 =	sor.u32 s3, s0;
	s1 =	sshll.u32 s1, $0x11  }
0xbb: {  	s0 =	sor.u32 s1, s0  }
0xbc: {  	s0 =	sadd.s32 $0x8F2B, s0  }
0xbd: {  	[sflag:s0] =	ssyncadd.remote.s32 $0x1  }
0xbe: {  	_ =	sfence.sel $0xFFFF  }
0xbf: {  	[dreg:$0x0] =	wrdreg $0xFFFFFFFF;
	(pc) =	sbr.abs _section_cstart, $3  }
0xc0: {  	[dreg:$0x1] =	wrdreg $0xFFFFFFFF  }
0xc1: {  	_ =	task.clear_ibuf [dreg:s7], $0x2FFFF;
	_ =	strace $0x9FFFFFFF  }
0xc2: {  	(tm) =	ssettm $0x7FFFFFFF  }
0xc3: {  	_ =	shalt  }
tec
execute0_lowered:
.L_overlay_start_1:
0x0: {  	(tag) =	ssettag $0x1  }
0x1: {  	s0 =	rddreg [dreg:$0x0]  }
0x2: {  	s1 =	rddreg [dreg:$0x1]  }
0x3: {  	s3 =	srdreg.scid;
	s9 =	stileid.u32;
	s2 =	simm.s32 $0x0  }
0x4: {  	s28 =	simm.s32 $0x5;
	s29 =	simm.s32 $0xC;
	s30 =	simm.s32 $0x6  }
0x5: {  	s31 =	simm.s32 $0xD;
	s4 =	sand.u32 $0x1, s3;
	s5 =	smul.u32 $0x190000, s9  }
0x6: {  	[smem:$0x7FF] =	sst s2;
	s3 =	sadd.s32 $0xF42A00, s0;
	s0 =	sadd.s32 $0x600, s0  }
0x7: {  	s12 =	sshll.u32 s9, $0x1;
	s6 =	smul.u32 $0xC8000, s4;
	s7 =	ssub.s32 $0x2, s4  }
0x8: {  	_ =	strace $0x80000047;
	s4 =	sor.u32 s4, s12;
	s8 =	sshrl.u32 s7, $0x1  }
0x9: {  	s4 =	smul.u32 $0xC80, s4;
	s5 =	sadd.s32 s6, s5;
	s10 =	ssub.s32 s7, s8  }
0xa: {  	s6 =	simm.s32 $0x0;
	s11 =	sor.u32 $0x5000, s5;
	s13 =	sor.u32 $0x4000, s5  }
0xb: {  	s16 =	sor.u32 $0x3000, s5;
	s18 =	sor.u32 $0x2000, s5;
	s19 =	sor.u32 $0x1000, s5  }
0xc: {  	s23 =	sshrl.u32 s5, $0x3;
	s24 =	sor.u32 $0x7000, s5;
	s5 =	sor.u32 $0x6000, s5  }
0xd: {  	s1 =	sadd.s32 s1, s4;
	s26 =	smax.u32 s10, $0x1;
	s10 =	simm.s32 $0x8  }
0xe: {  	s7 =	sshrl.u32 s11, $0x3;
	s14 =	sshrl.u32 s13, $0x3;
	s17 =	sshrl.u32 s16, $0x3  }
0xf: {  	s8 =	sshrl.u32 s18, $0x3;
	s21 =	sshrl.u32 s19, $0x3;
	[dreg:$0xb] =	wrdreg s1  }
0x10: {  	s5 =	sshrl.u32 s5, $0x3;
	[dreg:$0xc] =	wrdreg s26;
	s18 =	simm.s32 $0xC400  }
0x11: {  	s19 =	simm.s32 $0x1;
	s26 =	simm.s32 $0xB;
	s7 =	sadd.s32 s7, s0  }
0x12: {  	s1 =	simm.s32 $0xE;
	s15 =	sadd.s32 s14, s0;
	[dreg:$0x3] =	wrdreg s7  }
0x13: {  	s20 =	sadd.s32 s8, s0;
	s22 =	sadd.s32 s21, s0;
	[dreg:$0x4] =	wrdreg s15  }
0x14: {  	s8 =	sshrl.u32 s24, $0x3;
	s21 =	simm.s32 $0x2;
	[dreg:$0x6] =	wrdreg s20  }
0x15: {  	s24 =	simm.s32 $0xA;
	s7 =	sadd.s32 s17, s0;
	[dreg:$0x7] =	wrdreg s22  }
0x16: {  	s25 =	sadd.s32 s8, s0;
	s20 =	simm.s32 $0xD400;
	s22 =	simm.s32 $0x9  }
0x17: {  	s17 =	simm.s32 $0x7400;
	s15 =	simm.s32 $0x8400;
	[dreg:$0x5] =	wrdreg s7  }
0x18: {  	s7 =	sadd.s32 s23, s0;
	[dreg:$0x9] =	wrdreg s25;
	s0 =	sadd.s32 s5, s0  }
0x19: {  	s23 =	simm.s32 $0x3;
	s25 =	simm.s32 $0x4;
	[dreg:$0x8] =	wrdreg s7  }
0x1a: {  	[dreg:$0xa] =	wrdreg s0;
	s7 =	simm.s32 $0x80;
	s0 =	simm.s32 $0x7  }
.LBB2_1:
0x1b: {  	[dreg:$0xd] =	wrdreg s6  }
0x1c: {  	s4 =	rddreg [dreg:$0xb];
	s12 =	simm.s32 $0x11  }
0x1d: {  	[tilespmem:s2], [sflag:$0x11] =	stream.linear.gather [hbm4b:s4+s2], $0x6400, $0x38;
	[tilespmem:$0xE400] =	vst v63  }
0x1e: {  	_ =	swait.ge [sflag:s12], $0x6400  }
0x1f: {  	[sflag:s12] =	ssyncset.done $0x0  }
0x20: {  	s6 =	simm.s32 $0x6400;
	[sflag:s12] =	ssyncadd.s32 $0xFFFF9C00  }
0x21: {  	[tilespmem:s6], [sflag:$0x1] =	stream.indirect.gather [hbm4b:s3+s7], $0x20, s2, s7, $0xb8;
	[tilespmem:$0xE400] =	vst v63  }
0x22: {  	s8 =	simm.s32 $0x7400  }
0x23: {  	[tilespmem:s8], [sflag:$0x2] =	stream.indirect.gather [hbm4b:s3+s7], $0x20, s7, s7, $0xb8;
	[tilespmem:$0xE400] =	vst v63  }
0x24: {  	s13 =	simm.s32 $0x100;
	s9 =	simm.s32 $0x8400  }
0x25: {  	[tilespmem:s9], [sflag:$0x3] =	stream.indirect.gather [hbm4b:s3+s7], $0x20, s13, s7, $0xb8;
	[tilespmem:$0xE400] =	vst v63  }
0x26: {  	s14 =	simm.s32 $0x180;
	s11 =	simm.s32 $0x9400;
	p0 =	por $0x1, $0x1  }
0x27: {  	[tilespmem:s11], [sflag:$0x4] =	stream.indirect.gather [hbm4b:s3+s7], $0x20, s14, s7, $0xb8;
	[tilespmem:$0xE400] =	vst v63  }
0x28: {  	s16 =	simm.s32 $0x200;
	p0 =	por p0, p0;
	s12 =	simm.s32 $0xA400  }
0x29: {  	[tilespmem:s12], [sflag:$0x5] =	stream.indirect.gather [hbm4b:s3+s7], $0x20, s16, s7, $0xb8;
	[tilespmem:$0xE400] =	vst v63  }
0x2a: {  	s5 =	simm.s32 $0x280;
	s4 =	simm.s32 @!p0 $0xF;
	s13 =	simm.s32 $0xB400  }
0x2b: {  	[tilespmem:s13], [sflag:$0x6] =	stream.indirect.gather [hbm4b:s3+s7], $0x20, s5, s7, $0xb8;
	[tilespmem:$0xE400] =	vst v63  }
0x2c: {  	_ =	swait.ge @!p0 [sflag:s4], $0x1000  }
0x2d: {  	[sflag:s4] =	ssyncset.done @!p0 $0x0  }
0x2e: {  	s14 =	simm.s32 $0x300;
	[sflag:s4] =	ssyncadd.s32 @!p0 $0xFFFFF000  }
0x2f: {  	[tilespmem:s18], [sflag:$0x7] =	stream.indirect.gather [hbm4b:s3+s7], $0x20, s14, s7, $0xb8;
	[tilespmem:$0xE400] =	vst v63  }
0x30: {  	_ =	swait.ge [sflag:s19], $0x1000  }
0x31: {  	s16 =	rddreg [dreg:$0x8];
	[sflag:s19] =	ssyncset.done $0x0  }
0x32: {  	s5 =	simm.s32 @!p0 $0x10;
	[sflag:s19] =	ssyncadd.s32 $0xFFFFF000;
	s4 =	sadd.s32 $0x0, s16  }
0x33: {  	[hbm4b:s4+s2] =	stream.linear.scatter [tilespmem:s6], [sflag:$0x9], $0x1000, $0x38;
	[tilespmem:$0xE400] =	vst v63  }
0x34: {  	_ =	swait.ge @!p0 [sflag:s5], $0x1000  }
0x35: {  	[sflag:s5] =	ssyncset.done @!p0 $0x0  }
0x36: {  	[sflag:s5] =	ssyncadd.s32 @!p0 $0xFFFFF000;
	s5 =	simm.s32 $0x380  }
0x37: {  	[tilespmem:s20], [sflag:$0x8] =	stream.indirect.gather [hbm4b:s3+s7], $0x20, s5, s7, $0xb8;
	[tilespmem:$0xE400] =	vst v63  }
0x38: {  	_ =	swait.ge [sflag:s21], $0x1000  }
0x39: {  	s6 =	rddreg [dreg:$0x7];
	[sflag:s21] =	ssyncset.done $0x0  }
0x3a: {  	[sflag:s21] =	ssyncadd.s32 $0xFFFFF000;
	s4 =	sadd.s32 $0x0, s6  }
0x3b: {  	[hbm4b:s4+s2] =	stream.linear.scatter [tilespmem:s8], [sflag:$0xA], $0x1000, $0x38;
	[tilespmem:$0xE400] =	vst v63  }
0x3c: {  	p0 =	por $0x0, $0x0;
	_ =	swait.ge [sflag:s22], $0x1000  }
0x3d: {  	s5 =	simm.s32 @!p0 $0x400;
	[sflag:s22] =	ssyncset.done $0x0  }
0x3e: {  	s6 =	simm.s32 @!p0 $0x80;
	s4 =	simm.s32 @!p0 $0x6400;
	[sflag:s22] =	ssyncadd.s32 $0xFFFFF000  }
0x3f: {  	[tilespmem:s4], [sflag:$0x1] =	stream.indirect.gather @!p0 [hbm4b:s3+s6], $0x20, s5, s6, $0xb8;
	[tilespmem:$0xE400] =	vst v63  }
0x40: {  	_ =	swait.ge [sflag:s23], $0x1000  }
0x41: {  	s8 =	rddreg [dreg:$0x6];
	[sflag:s23] =	ssyncset.done $0x0  }
0x42: {  	[sflag:s23] =	ssyncadd.s32 $0xFFFFF000;
	s4 =	sadd.s32 $0x0, s8  }
0x43: {  	[hbm4b:s4+s2] =	stream.linear.scatter [tilespmem:s9], [sflag:$0xB], $0x1000, $0x38;
	[tilespmem:$0xE400] =	vst v63  }
0x44: {  	_ =	swait.ge [sflag:s24], $0x1000  }
0x45: {  	[sflag:s24] =	ssyncset.done $0x0  }
0x46: {  	s5 =	simm.s32 @!p0 $0x7400;
	s4 =	simm.s32 @!p0 $0x480;
	[sflag:s24] =	ssyncadd.s32 $0xFFFFF000  }
0x47: {  	[tilespmem:s5], [sflag:$0x2] =	stream.indirect.gather @!p0 [hbm4b:s3+s6], $0x20, s4, s6, $0xb8;
	[tilespmem:$0xE400] =	vst v63  }
0x48: {  	_ =	swait.ge [sflag:s25], $0x1000  }
0x49: {  	s9 =	rddreg [dreg:$0x5];
	[sflag:s25] =	ssyncset.done $0x0  }
0x4a: {  	[sflag:s25] =	ssyncadd.s32 $0xFFFFF000;
	s4 =	sadd.s32 $0x0, s9  }
0x4b: {  	[hbm4b:s4+s2] =	stream.linear.scatter [tilespmem:s11], [sflag:$0xC], $0x1000, $0x38;
	[tilespmem:$0xE400] =	vst v63  }
0x4c: {  	_ =	swait.ge [sflag:s26], $0x1000  }
0x4d: {  	[sflag:s26] =	ssyncset.done $0x0  }
0x4e: {  	s5 =	simm.s32 @!p0 $0x8400;
	s4 =	simm.s32 @!p0 $0x500;
	[sflag:s26] =	ssyncadd.s32 $0xFFFFF000  }
0x4f: {  	[tilespmem:s5], [sflag:$0x3] =	stream.indirect.gather @!p0 [hbm4b:s3+s6], $0x20, s4, s6, $0xb8;
	[tilespmem:$0xE400] =	vst v63  }
0x50: {  	_ =	swait.ge [sflag:s28], $0x1000  }
0x51: {  	s11 =	rddreg [dreg:$0x4];
	[sflag:s28] =	ssyncset.done $0x0  }
0x52: {  	[sflag:s28] =	ssyncadd.s32 $0xFFFFF000;
	s4 =	sadd.s32 $0x0, s11  }
0x53: {  	[hbm4b:s4+s2] =	stream.linear.scatter [tilespmem:s12], [sflag:$0xD], $0x1000, $0x38;
	[tilespmem:$0xE400] =	vst v63  }
0x54: {  	_ =	swait.ge [sflag:s29], $0x1000  }
0x55: {  	[sflag:s29] =	ssyncset.done $0x0  }
0x56: {  	s5 =	simm.s32 @!p0 $0x9400;
	s4 =	simm.s32 @!p0 $0x580;
	[sflag:s29] =	ssyncadd.s32 $0xFFFFF000  }
0x57: {  	[tilespmem:s5], [sflag:$0x4] =	stream.indirect.gather @!p0 [hbm4b:s3+s6], $0x20, s4, s6, $0xb8;
	[tilespmem:$0xE400] =	vst v63  }
0x58: {  	_ =	swait.ge [sflag:s30], $0x1000  }
0x59: {  	s12 =	rddreg [dreg:$0x3];
	[sflag:s30] =	ssyncset.done $0x0  }
0x5a: {  	[sflag:s30] =	ssyncadd.s32 $0xFFFFF000;
	s4 =	sadd.s32 $0x0, s12  }
0x5b: {  	[hbm4b:s4+s2] =	stream.linear.scatter [tilespmem:s13], [sflag:$0xE], $0x1000, $0x38;
	[tilespmem:$0xE400] =	vst v63  }
0x5c: {  	_ =	swait.ge [sflag:s31], $0x1000  }
0x5d: {  	[sflag:s31] =	ssyncset.done $0x0  }
0x5e: {  	s5 =	simm.s32 @!p0 $0xA400;
	s4 =	simm.s32 @!p0 $0x600;
	[sflag:s31] =	ssyncadd.s32 $0xFFFFF000  }
0x5f: {  	[tilespmem:s5], [sflag:$0x5] =	stream.indirect.gather @!p0 [hbm4b:s3+s6], $0x20, s4, s6, $0xb8;
	[tilespmem:$0xE400] =	vst v63  }
0x60: {  	_ =	swait.ge [sflag:s0], $0x1000  }
0x61: {  	s14 =	rddreg [dreg:$0xa];
	[sflag:s0] =	ssyncset.done $0x0  }
0x62: {  	[sflag:s0] =	ssyncadd.s32 $0xFFFFF000;
	s4 =	sadd.s32 $0x0, s14  }
0x63: {  	[hbm4b:s4+s2] =	stream.linear.scatter [tilespmem:s18], [sflag:$0xF], $0x1000, $0x38;
	[tilespmem:$0xE400] =	vst v63  }
0x64: {  	_ =	swait.ge [sflag:s1], $0x1000  }
0x65: {  	[sflag:s1] =	ssyncset.done $0x0  }
0x66: {  	s5 =	simm.s32 @!p0 $0xB400;
	s4 =	simm.s32 @!p0 $0x680;
	[sflag:s1] =	ssyncadd.s32 $0xFFFFF000  }
0x67: {  	[tilespmem:s5], [sflag:$0x6] =	stream.indirect.gather @!p0 [hbm4b:s3+s6], $0x20, s4, s6, $0xb8;
	[tilespmem:$0xE400] =	vst v63  }
0x68: {  	p6 =	por $0x0, $0x0;
	s4 =	simm.s32 $0x1000;
	_ =	swait.ge [sflag:s10], $0x1000  }
0x69: {  	s5 =	simm.s32 $0x2000;
	s16 =	rddreg [dreg:$0x9];
	[sflag:s10] =	ssyncset.done $0x0  }
0x6a: {  	p0 =	por p6, p6;
	[sflag:s10] =	ssyncadd.s32 $0xFFFFF000;
	s12 =	sadd.s32 $0x0, s16  }
.LBB2_2:
0x6b: {  	[hbm4b:s12+s2] =	stream.linear.scatter [tilespmem:s20], [sflag:$0x10], $0x1000, $0x38;
	[tilespmem:$0xE400] =	vst v63  }
0x6c: {  	s12 =	simm.s32 @!p0 $0xF  }
0x6d: {  	_ =	swait.ge @!p0 [sflag:s12], $0x1000  }
0x6e: {  	s14 =	sshra.s32 s4, $0x2;
	[sflag:s12] =	ssyncset.done @!p0 $0x0  }
0x6f: {  	s13 =	sadd.s32 $0x300, s14;
	[sflag:s12] =	ssyncadd.s32 @!p0 $0xFFFFF000  }
0x70: {  	[tilespmem:s18], [sflag:$0x7] =	stream.indirect.gather [hbm4b:s3+s7], $0x20, s13, s7, $0xb8;
	[tilespmem:$0xE400] =	vst v63  }
0x71: {  	_ =	swait.ge [sflag:s19], $0x1000  }
0x72: {  	s8 =	simm.s32 $0x6400;
	s16 =	rddreg [dreg:$0x8];
	[sflag:s19] =	ssyncset.done $0x0  }
0x73: {  	[sflag:s19] =	ssyncadd.s32 $0xFFFFF000;
	s12 =	sadd.s32 s4, s16;
	s16 =	simm.s32 @!p0 $0x10  }
0x74: {  	[hbm4b:s12+s2] =	stream.linear.scatter [tilespmem:s8], [sflag:$0x9], $0x1000, $0x38;
	[tilespmem:$0xE400] =	vst v63  }
0x75: {  	_ =	swait.ge @!p0 [sflag:s16], $0x1000  }
0x76: {  	[sflag:s16] =	ssyncset.done @!p0 $0x0  }
0x77: {  	s8 =	sadd.s32 $0x380, s14;
	[sflag:s16] =	ssyncadd.s32 @!p0 $0xFFFFF000  }
0x78: {  	[tilespmem:s20], [sflag:$0x8] =	stream.indirect.gather [hbm4b:s3+s7], $0x20, s8, s7, $0xb8;
	[tilespmem:$0xE400] =	vst v63  }
0x79: {  	_ =	swait.ge [sflag:s21], $0x1000  }
0x7a: {  	s6 =	smov.u32 s5;
	s9 =	rddreg [dreg:$0x7];
	[sflag:s21] =	ssyncset.done $0x0  }
0x7b: {  	p2 =	seq.s32 s6, $0x0;
	[sflag:s21] =	ssyncadd.s32 $0xFFFFF000;
	s12 =	sadd.s32 s4, s9  }
0x7c: {  	[hbm4b:s12+s2] =	stream.linear.scatter [tilespmem:s17], [sflag:$0xA], $0x1000, $0x38;
	[tilespmem:$0xE400] =	vst v63  }
0x7d: {  	p0 =	por p2, p2;
	p2 =	seq.s32 s4, $0x18000;
	_ =	swait.ge [sflag:s22], $0x1000  }
0x7e: {  	s14 =	sshra.s32 @!p2 s4, $0x2;
	s16 =	simm.s32 @!p2 $0x6400;
	[sflag:s22] =	ssyncset.done $0x0  }
0x7f: {  	s8 =	sadd.s32 @!p2 $0x400, s14;
	s12 =	simm.s32 @!p2 $0x80;
	[sflag:s22] =	ssyncadd.s32 $0xFFFFF000  }
0x80: {  	[tilespmem:s16], [sflag:$0x1] =	stream.indirect.gather @!p2 [hbm4b:s3+s12], $0x20, s8, s12, $0xb8;
	[tilespmem:$0xE400] =	vst v63  }
0x81: {  	_ =	swait.ge [sflag:s23], $0x1000  }
0x82: {  	s11 =	rddreg [dreg:$0x6];
	[sflag:s23] =	ssyncset.done $0x0  }
0x83: {  	[sflag:s23] =	ssyncadd.s32 $0xFFFFF000;
	s11 =	sadd.s32 s4, s11  }
0x84: {  	[hbm4b:s11+s2] =	stream.linear.scatter [tilespmem:s15], [sflag:$0xB], $0x1000, $0x38;
	[tilespmem:$0xE400] =	vst v63  }
0x85: {  	_ =	swait.ge [sflag:s24], $0x1000  }
0x86: {  	[sflag:s24] =	ssyncset.done $0x0  }
0x87: {  	s8 =	sadd.s32 @!p2 $0x480, s14;
	s11 =	simm.s32 @!p2 $0x7400;
	[sflag:s24] =	ssyncadd.s32 $0xFFFFF000  }
0x88: {  	[tilespmem:s11], [sflag:$0x2] =	stream.indirect.gather @!p2 [hbm4b:s3+s12], $0x20, s8, s12, $0xb8;
	[tilespmem:$0xE400] =	vst v63  }
0x89: {  	_ =	swait.ge [sflag:s25], $0x1000  }
0x8a: {  	s11 =	rddreg [dreg:$0x5];
	[sflag:s25] =	ssyncset.done $0x0  }
0x8b: {  	[sflag:s25] =	ssyncadd.s32 $0xFFFFF000;
	s8 =	sadd.s32 s4, s11;
	s11 =	simm.s32 $0x9400  }
0x8c: {  	[hbm4b:s8+s2] =	stream.linear.scatter [tilespmem:s11], [sflag:$0xC], $0x1000, $0x38;
	[tilespmem:$0xE400] =	vst v63  }
0x8d: {  	_ =	swait.ge [sflag:s26], $0x1000  }
0x8e: {  	[sflag:s26] =	ssyncset.done $0x0  }
0x8f: {  	s9 =	sadd.s32 @!p2 $0x500, s14;
	s8 =	simm.s32 @!p2 $0x8400;
	[sflag:s26] =	ssyncadd.s32 $0xFFFFF000  }
0x90: {  	[tilespmem:s8], [sflag:$0x3] =	stream.indirect.gather @!p2 [hbm4b:s3+s12], $0x20, s9, s12, $0xb8;
	[tilespmem:$0xE400] =	vst v63  }
0x91: {  	_ =	swait.ge [sflag:s28], $0x1000  }
0x92: {  	s9 =	rddreg [dreg:$0x4];
	[sflag:s28] =	ssyncset.done $0x0  }
0x93: {  	s11 =	simm.s32 $0xA400;
	[sflag:s28] =	ssyncadd.s32 $0xFFFFF000;
	s8 =	sadd.s32 s4, s9  }
0x94: {  	[hbm4b:s8+s2] =	stream.linear.scatter [tilespmem:s11], [sflag:$0xD], $0x1000, $0x38;
	[tilespmem:$0xE400] =	vst v63  }
0x95: {  	_ =	swait.ge [sflag:s29], $0x1000  }
0x96: {  	[sflag:s29] =	ssyncset.done $0x0  }
0x97: {  	s13 =	sadd.s32 @!p2 $0x580, s14;
	s8 =	simm.s32 @!p2 $0x9400;
	[sflag:s29] =	ssyncadd.s32 $0xFFFFF000  }
0x98: {  	[tilespmem:s8], [sflag:$0x4] =	stream.indirect.gather @!p2 [hbm4b:s3+s12], $0x20, s13, s12, $0xb8;
	[tilespmem:$0xE400] =	vst v63  }
0x99: {  	_ =	swait.ge [sflag:s30], $0x1000  }
0x9a: {  	s9 =	rddreg [dreg:$0x3];
	[sflag:s30] =	ssyncset.done $0x0  }
0x9b: {  	s11 =	simm.s32 $0xB400;
	[sflag:s30] =	ssyncadd.s32 $0xFFFFF000;
	s8 =	sadd.s32 s4, s9  }
0x9c: {  	[hbm4b:s8+s2] =	stream.linear.scatter [tilespmem:s11], [sflag:$0xE], $0x1000, $0x38;
	[tilespmem:$0xE400] =	vst v63  }
0x9d: {  	_ =	swait.ge [sflag:s31], $0x1000  }
0x9e: {  	[sflag:s31] =	ssyncset.done $0x0  }
0x9f: {  	s16 =	sadd.s32 @!p2 $0x600, s14;
	s8 =	simm.s32 @!p2 $0xA400;
	[sflag:s31] =	ssyncadd.s32 $0xFFFFF000  }
0xa0: {  	[tilespmem:s8], [sflag:$0x5] =	stream.indirect.gather @!p2 [hbm4b:s3+s12], $0x20, s16, s12, $0xb8;
	[tilespmem:$0xE400] =	vst v63  }
0xa1: {  	_ =	swait.ge [sflag:s0], $0x1000  }
0xa2: {  	s13 =	rddreg [dreg:$0xa];
	[sflag:s0] =	ssyncset.done $0x0  }
0xa3: {  	[sflag:s0] =	ssyncadd.s32 $0xFFFFF000;
	s8 =	sadd.s32 s4, s13  }
0xa4: {  	[hbm4b:s8+s2] =	stream.linear.scatter [tilespmem:s18], [sflag:$0xF], $0x1000, $0x38;
	[tilespmem:$0xE400] =	vst v63  }
0xa5: {  	s5 =	sadd.s32 $0x1000, s5;
	_ =	swait.ge [sflag:s1], $0x1000  }
0xa6: {  	p1 =	sne.s32 s5, $0x19000;
	s14 =	sadd.s32 @!p2 $0x680, s14;
	[sflag:s1] =	ssyncset.done $0x0  }
.Ltmp0:
0xa7: {  	s8 =	simm.s32 @!p2 $0xB400;
	[sflag:s1] =	ssyncadd.s32 $0xFFFFF000;
	(pc) =	sbr.rel @p1 .LBB2_2-.Ltmp0, $4  }
0xa8: {  	[tilespmem:s8], [sflag:$0x6] =	stream.indirect.gather @!p2 [hbm4b:s3+s12], $0x20, s14, s12, $0xb8;
	[tilespmem:$0xE400] =	vst v63  }
0xa9: {  	_ =	swait.ge [sflag:s10], $0x1000  }
0xaa: {  	[sflag:s10] =	ssyncset.done $0x0;
	s16 =	rddreg [dreg:$0x9]  }
0xab: {  	[sflag:s10] =	ssyncadd.s32 $0xFFFFF000;
	s12 =	sadd.s32 s4, s16;
	s4 =	smov.u32 s6  }
0xac: {  	[hbm4b:s12+s2] =	stream.linear.scatter [tilespmem:s20], [sflag:$0x10], $0x1000, $0x38;
	[tilespmem:$0xE400] =	vst v63  }
0xad: {  	s5 =	simm.s32 @!p0 $0xF  }
0xae: {  	_ =	swait.ge @!p0 [sflag:s5], $0x1000  }
0xaf: {  	s6 =	sshra.s32 s4, $0x2;
	[sflag:s5] =	ssyncset.done @!p0 $0x0  }
0xb0: {  	s9 =	sadd.s32 $0x300, s6;
	[sflag:s5] =	ssyncadd.s32 @!p0 $0xFFFFF000  }
0xb1: {  	[tilespmem:s18], [sflag:$0x7] =	stream.indirect.gather [hbm4b:s3+s7], $0x20, s9, s7, $0xb8;
	[tilespmem:$0xE400] =	vst v63  }
0xb2: {  	_ =	swait.ge [sflag:s19], $0x1000  }
0xb3: {  	s8 =	simm.s32 @!p0 $0x10;
	s11 =	rddreg [dreg:$0x8];
	[sflag:s19] =	ssyncset.done $0x0  }
0xb4: {  	s9 =	simm.s32 $0x6400;
	[sflag:s19] =	ssyncadd.s32 $0xFFFFF000;
	s5 =	sadd.s32 s4, s11  }
0xb5: {  	[hbm4b:s5+s2] =	stream.linear.scatter [tilespmem:s9], [sflag:$0x9], $0x1000, $0x38;
	[tilespmem:$0xE400] =	vst v63  }
0xb6: {  	_ =	swait.ge @!p0 [sflag:s8], $0x1000  }
0xb7: {  	[sflag:s8] =	ssyncset.done @!p0 $0x0  }
0xb8: {  	s12 =	sadd.s32 $0x380, s6;
	[sflag:s8] =	ssyncadd.s32 @!p0 $0xFFFFF000  }
0xb9: {  	[tilespmem:s20], [sflag:$0x8] =	stream.indirect.gather [hbm4b:s3+s7], $0x20, s12, s7, $0xb8;
	[tilespmem:$0xE400] =	vst v63  }
0xba: {  	_ =	swait.ge [sflag:s21], $0x1000  }
0xbb: {  	s13 =	rddreg [dreg:$0x7];
	[sflag:s21] =	ssyncset.done $0x0  }
0xbc: {  	[sflag:s21] =	ssyncadd.s32 $0xFFFFF000;
	s5 =	sadd.s32 s4, s13  }
0xbd: {  	[hbm4b:s5+s2] =	stream.linear.scatter [tilespmem:s17], [sflag:$0xA], $0x1000, $0x38;
	[tilespmem:$0xE400] =	vst v63  }
0xbe: {  	p0 =	seq.s32 s4, $0x18000;
	_ =	swait.ge [sflag:s22], $0x1000  }
0xbf: {  	s6 =	simm.s32 @!p0 $0x6400;
	s5 =	sshra.s32 @!p0 s4, $0x2;
	[sflag:s22] =	ssyncset.done $0x0  }
0xc0: {  	s9 =	simm.s32 @!p0 $0x80;
	s8 =	sadd.s32 @!p0 $0x400, s5;
	[sflag:s22] =	ssyncadd.s32 $0xFFFFF000  }
0xc1: {  	[tilespmem:s6], [sflag:$0x1] =	stream.indirect.gather @!p0 [hbm4b:s3+s9], $0x20, s8, s9, $0xb8;
	[tilespmem:$0xE400] =	vst v63  }
0xc2: {  	_ =	swait.ge [sflag:s23], $0x1000  }
0xc3: {  	s14 =	rddreg [dreg:$0x6];
	[sflag:s23] =	ssyncset.done $0x0  }
0xc4: {  	s16 =	simm.s32 $0x8400;
	[sflag:s23] =	ssyncadd.s32 $0xFFFFF000;
	s6 =	sadd.s32 s4, s14  }
0xc5: {  	[hbm4b:s6+s2] =	stream.linear.scatter [tilespmem:s16], [sflag:$0xB], $0x1000, $0x38;
	[tilespmem:$0xE400] =	vst v63  }
0xc6: {  	_ =	swait.ge [sflag:s24], $0x1000  }
0xc7: {  	[sflag:s24] =	ssyncset.done $0x0  }
0xc8: {  	s8 =	simm.s32 @!p0 $0x7400;
	s6 =	sadd.s32 @!p0 $0x480, s5;
	[sflag:s24] =	ssyncadd.s32 $0xFFFFF000  }
0xc9: {  	[tilespmem:s8], [sflag:$0x2] =	stream.indirect.gather @!p0 [hbm4b:s3+s9], $0x20, s6, s9, $0xb8;
	[tilespmem:$0xE400] =	vst v63  }
0xca: {  	_ =	swait.ge [sflag:s25], $0x1000  }
0xcb: {  	s8 =	rddreg [dreg:$0x5];
	[sflag:s25] =	ssyncset.done $0x0  }
0xcc: {  	s11 =	simm.s32 $0x9400;
	[sflag:s25] =	ssyncadd.s32 $0xFFFFF000;
	s6 =	sadd.s32 s4, s8  }
0xcd: {  	[hbm4b:s6+s2] =	stream.linear.scatter [tilespmem:s11], [sflag:$0xC], $0x1000, $0x38;
	[tilespmem:$0xE400] =	vst v63  }
0xce: {  	_ =	swait.ge [sflag:s26], $0x1000  }
0xcf: {  	[sflag:s26] =	ssyncset.done $0x0  }
0xd0: {  	s8 =	simm.s32 @!p0 $0x8400;
	s6 =	sadd.s32 @!p0 $0x500, s5;
	[sflag:s26] =	ssyncadd.s32 $0xFFFFF000  }
0xd1: {  	[tilespmem:s8], [sflag:$0x3] =	stream.indirect.gather @!p0 [hbm4b:s3+s9], $0x20, s6, s9, $0xb8;
	[tilespmem:$0xE400] =	vst v63  }
0xd2: {  	_ =	swait.ge [sflag:s28], $0x1000  }
0xd3: {  	s12 =	rddreg [dreg:$0x4];
	[sflag:s28] =	ssyncset.done $0x0  }
0xd4: {  	s13 =	simm.s32 $0xA400;
	[sflag:s28] =	ssyncadd.s32 $0xFFFFF000;
	s6 =	sadd.s32 s4, s12  }
0xd5: {  	[hbm4b:s6+s2] =	stream.linear.scatter [tilespmem:s13], [sflag:$0xD], $0x1000, $0x38;
	[tilespmem:$0xE400] =	vst v63  }
0xd6: {  	_ =	swait.ge [sflag:s29], $0x1000  }
0xd7: {  	[sflag:s29] =	ssyncset.done $0x0  }
0xd8: {  	s8 =	simm.s32 @!p0 $0x9400;
	s6 =	sadd.s32 @!p0 $0x580, s5;
	[sflag:s29] =	ssyncadd.s32 $0xFFFFF000  }
0xd9: {  	[tilespmem:s8], [sflag:$0x4] =	stream.indirect.gather @!p0 [hbm4b:s3+s9], $0x20, s6, s9, $0xb8;
	[tilespmem:$0xE400] =	vst v63  }
0xda: {  	_ =	swait.ge [sflag:s30], $0x1000  }
0xdb: {  	s14 =	rddreg [dreg:$0x3];
	[sflag:s30] =	ssyncset.done $0x0  }
0xdc: {  	s16 =	simm.s32 $0xB400;
	[sflag:s30] =	ssyncadd.s32 $0xFFFFF000;
	s6 =	sadd.s32 s4, s14  }
0xdd: {  	[hbm4b:s6+s2] =	stream.linear.scatter [tilespmem:s16], [sflag:$0xE], $0x1000, $0x38;
	[tilespmem:$0xE400] =	vst v63  }
0xde: {  	_ =	swait.ge [sflag:s31], $0x1000  }
0xdf: {  	[sflag:s31] =	ssyncset.done $0x0  }
0xe0: {  	s8 =	simm.s32 @!p0 $0xA400;
	s6 =	sadd.s32 @!p0 $0x600, s5;
	[sflag:s31] =	ssyncadd.s32 $0xFFFFF000  }
0xe1: {  	[tilespmem:s8], [sflag:$0x5] =	stream.indirect.gather @!p0 [hbm4b:s3+s9], $0x20, s6, s9, $0xb8;
	[tilespmem:$0xE400] =	vst v63  }
0xe2: {  	_ =	swait.ge [sflag:s0], $0x1000  }
0xe3: {  	s8 =	rddreg [dreg:$0xa];
	[sflag:s0] =	ssyncset.done $0x0  }
0xe4: {  	[sflag:s0] =	ssyncadd.s32 $0xFFFFF000;
	s6 =	sadd.s32 s4, s8  }
0xe5: {  	[hbm4b:s6+s2] =	stream.linear.scatter [tilespmem:s18], [sflag:$0xF], $0x1000, $0x38;
	[tilespmem:$0xE400] =	vst v63  }
0xe6: {  	_ =	swait.ge [sflag:s1], $0x1000  }
0xe7: {  	[sflag:s1] =	ssyncset.done $0x0  }
0xe8: {  	s5 =	sadd.s32 @!p0 $0x680, s5;
	s6 =	simm.s32 @!p0 $0xB400;
	[sflag:s1] =	ssyncadd.s32 $0xFFFFF000  }
0xe9: {  	[tilespmem:s6], [sflag:$0x6] =	stream.indirect.gather @!p0 [hbm4b:s3+s9], $0x20, s5, s9, $0xb8;
	[tilespmem:$0xE400] =	vst v63  }
0xea: {  	_ =	swait.ge [sflag:s10], $0x1000  }
0xeb: {  	s9 =	rddreg [dreg:$0x9];
	[sflag:s10] =	ssyncset.done $0x0  }
0xec: {  	s12 =	simm.s32 $0xF;
	s11 =	sadd.s32 s4, s9;
	[sflag:s10] =	ssyncadd.s32 $0xFFFFF000  }
0xed: {  	[hbm4b:s11+s2] =	stream.linear.scatter [tilespmem:s20], [sflag:$0x10], $0x1000, $0x38;
	[tilespmem:$0xE400] =	vst v63  }
0xee: {  	_ =	swait.ge [sflag:s12], $0x1000  }
0xef: {  	[sflag:s12] =	ssyncset.done $0x0  }
0xf0: {  	s13 =	simm.s32 $0x10;
	[sflag:s12] =	ssyncadd.s32 $0xFFFFF000  }
0xf1: {  	_ =	swait.ge [sflag:s13], $0x1000  }
0xf2: {  	s14 =	rddreg [dreg:$0xd]  }
0xf3: {  	s16 =	rddreg [dreg:$0xc];
	s6 =	sadd.s32 $0x1, s14  }
0xf4: {  	p0 =	sne.s32 s6, s16  }
.Ltmp1:
0xf5: {  	_ = 	snop;
	(pc) =	sbr.rel @p0 .LBB2_1-.Ltmp1, $3  }
0xf6: {  	_ =	sdelay $0x1  }
0xf7: {  	[sflag:s13] =	ssyncset.done $0x0  }
0xf8: {  	[sflag:s13] =	ssyncadd.s32 $0xFFFFF000  }
0xf9: {  	_ =	sfence.sel $0x180000  }
0xfa: {  	[bflag:$0x0] =	sbarrier.arrive $0xFFFF  }
0xfb: {  	_ =	strace $0x90000047  }
0xfc: {  	s0 =	stileid.u32;
	[bflag:$0x2] =	sbarrier.arrive $0xFFFF  }
0xfd: {  	p0 =	sne.s32 s0, $0x0;
	s0 =	rddreg [dreg:$0x2]  }
0xfe: {  	s0 =	sadd.s32 @!p0 $0x100000, s0  }
0xff: {  	[sflag:s0] =	ssyncadd.tile.s32 @!p0 $0x1;
	_ =	shalt  }
.Lfunc_end2:
_tile_overlayer_lowered:
.L_overlay_start_2:
0x100: {  	(tag) =	ssettag $0x2  }
0x101: {  	s0 =	rddreg [dreg:$0x0];
	s2 =	stileid.u32  }
0x102: {  	s1 =	rddreg [dreg:$0x1];
	p0 =	sne.s32 s2, $0x0  }
0x103: {  	s3 =	rddreg [dreg:$0x2];
	[bflag:$0x3] =	sbarrier.arrive $0xFFFF;
	s2 =	simm.s32 @!p0 $0x1C11  }
0x104: {  	[timem:s3], [sflag:s2] =	dma.local @!p0 [hbm:s0], s1  }
0x105: {  	s0 =	simm.s32 @!p0 $0x11  }
0x106: {  	_ =	swait.ge @!p0 [sflag:s0], s1  }
0x107: {  	s1 =	ssub.s32 @!p0 $0x0, s1;
	[sflag:s0] =	ssyncset.done @!p0 $0x0  }
0x108: {  	[sflag:s0] =	ssyncadd.s32 @!p0 s1  }
0x109: {  	[bflag:$0x3] =	sbarrier.arrive $0xFFFF  }
0x10a: {  	_ =	shalt  }

</sc_bundles>
